<compile_context>
chip_gen: v7x
topology: tpu7x:2x2x1
jax: 0.10.2.dev20260603
libtpu: 0.0.44.dev20260713+nightly
codegen_flags: <defaults>
</compile_context>

<pallas_src>
import functools

import jax
import jax.numpy as jnp
from jax import lax
from jax.experimental import pallas as pl
from jax.experimental.pallas import tpu as pltpu
from jax.experimental.pallas import tpu_sc as plsc

B, L, D = 16, 512, 128
H = B // 2
CHUNK = 128
QPI = L // CHUNK


def _sc_gather_half(table, ctxr, b0):
    info = plsc.get_sparse_core_info()
    nc, ns = info.num_cores, info.num_subcores
    mesh = plsc.VectorSubcoreMesh(core_axis_name="c", subcore_axis_name="s")

    @functools.partial(
        pl.kernel,
        mesh=mesh,
        out_type=jax.ShapeDtypeStruct((2, H, L, D), jnp.float32),
        scratch_types=[
            pltpu.VMEM((2, CHUNK), jnp.int32),
            pltpu.VMEM((2 * CHUNK, D), jnp.float32),
            pltpu.SemaphoreType.DMA,
            pltpu.SemaphoreType.DMA,
        ],
    )
    def k(table_hbm, ctx_hbm, out_hbm, idx_v, rows_v, sem, osem):
        wid = lax.axis_index("s") * nc + lax.axis_index("c")
        side = wid // 16
        j = wid % 16
        item = j // 2
        half = j % 2
        row0 = side * (B * QPI) + (b0 + item) * QPI + half * 2
        pltpu.sync_copy(ctx_hbm.at[pl.ds(row0, 2)], idx_v)
        c1 = pltpu.async_copy(
            table_hbm.at[idx_v.at[0]], rows_v.at[pl.ds(0, CHUNK)], sem)
        c2 = pltpu.async_copy(
            table_hbm.at[idx_v.at[1]], rows_v.at[pl.ds(CHUNK, CHUNK)], sem)
        c1.wait()
        o1 = pltpu.async_copy(
            rows_v.at[pl.ds(0, CHUNK)],
            out_hbm.at[side, item, pl.ds(half * 2 * CHUNK, CHUNK)], osem)
        c2.wait()
        o2 = pltpu.async_copy(
            rows_v.at[pl.ds(CHUNK, CHUNK)],
            out_hbm.at[side, item, pl.ds(half * 2 * CHUNK + CHUNK, CHUNK)],
            osem)
        o1.wait()
        o2.wait()

    return k(table, ctxr)


def _interact(e1, e2, att, w):
    ss1 = jnp.sum(e1 * e1)
    ss2 = jnp.sum(e2 * e2)
    inv = 1.0 / jnp.sqrt(ss1 * ss2)
    p = jnp.dot(e1, att, preferred_element_type=jnp.float32)
    s_raw = lax.dot_general(
        p, e2, (((1,), (1,)), ((), ())), preferred_element_type=jnp.float32
    )
    s = jnp.tanh(s_raw * inv)

    ones_row = jnp.ones((1, L), jnp.float32)
    rsum = lax.dot_general(
        ones_row, s, (((1,), (1,)), ((), ())),
        preferred_element_type=jnp.float32)
    csum = lax.dot_general(
        ones_row, s, (((1,), (0,)), ((), ())),
        preferred_element_type=jnp.float32)

    rm = rsum * (1.0 / L)
    re = jnp.exp(rm - jnp.max(rm))
    rw = re / jnp.sum(re)
    na = jnp.dot(rw, e1, preferred_element_type=jnp.float32)

    cm = csum * (1.0 / L)
    ce = jnp.exp(cm - jnp.max(cm))
    cw = ce / jnp.sum(ce)
    nb = jnp.dot(cw, e2, preferred_element_type=jnp.float32)

    return na * nb * w * inv, s


def _tc_body_a(e1_ref, e2_ref, att_ref, w_ref, q_ref, sim_ref):
    b = pl.program_id(0)
    q, s = _interact(e1_ref[0], e2_ref[0], att_ref[...], w_ref[...])
    sim_ref[0] = s
    q_ref[pl.ds(b, 1), :] = q


def _tc_body_b(e1_ref, e2_ref, att_ref, w_ref, b_ref, qa_ref, simin_ref,
               logit_ref, sim_ref, qacc_ref):
    del simin_ref
    b = pl.program_id(0)
    q, s = _interact(e1_ref[0], e2_ref[0], att_ref[...], w_ref[...])
    sim_ref[0] = s
    qacc_ref[pl.ds(b, 1), :] = q

    @pl.when(b == H - 1)
    def _():
        qall = jnp.concatenate([qa_ref[...], qacc_ref[...]], axis=0)
        logit_ref[...] = jnp.sum(qall, axis=1) + b_ref[0]


def _tc_half_a(g, att_mat, w_row):
    return pl.pallas_call(
        _tc_body_a,
        grid=(H,),
        in_specs=[
            pl.BlockSpec((1, L, D), lambda b: (b, 0, 0)),
            pl.BlockSpec((1, L, D), lambda b: (b + H, 0, 0)),
            pl.BlockSpec((D, D), lambda b: (0, 0)),
            pl.BlockSpec((1, D), lambda b: (0, 0)),
        ],
        out_specs=[
            pl.BlockSpec((H, D), lambda b: (0, 0)),
            pl.BlockSpec((1, L, L), lambda b: (b, 0, 0)),
        ],
        out_shape=[
            jax.ShapeDtypeStruct((H, D), jnp.float32),
            jax.ShapeDtypeStruct((B, L, L), jnp.float32),
        ],
    )(g, g, att_mat, w_row)


def _tc_half_b(g, att_mat, w_row, b_pred, qa, sim_in):
    return pl.pallas_call(
        _tc_body_b,
        grid=(H,),
        in_specs=[
            pl.BlockSpec((1, L, D), lambda b: (b, 0, 0)),
            pl.BlockSpec((1, L, D), lambda b: (b + H, 0, 0)),
            pl.BlockSpec((D, D), lambda b: (0, 0)),
            pl.BlockSpec((1, D), lambda b: (0, 0)),
            pl.BlockSpec(memory_space=pltpu.SMEM),
            pl.BlockSpec((H, D), lambda b: (0, 0)),
            pl.BlockSpec(memory_space=pl.ANY),
        ],
        out_specs=[
            pl.BlockSpec((B,), lambda b: (0,)),
            pl.BlockSpec((1, L, L), lambda b: (b + H, 0, 0)),
        ],
        out_shape=[
            jax.ShapeDtypeStruct((B,), jnp.float32),
            jax.ShapeDtypeStruct((B, L, L), jnp.float32),
        ],
        scratch_shapes=[pltpu.VMEM((H, D), jnp.float32)],
        input_output_aliases={6: 1},
    )(g, g, att_mat, w_row, b_pred, qa, sim_in)


def kernel(t1s, t2s, t1_contexts, t2_contexts, table, att_mat, w_pred, b_pred):
    ctxr = jnp.stack([t1_contexts, t2_contexts]).astype(jnp.int32).reshape(
        2 * B * QPI, CHUNK)
    ga = _sc_gather_half(table, ctxr, 0).reshape(2 * H, L, D)
    gb = _sc_gather_half(table, ctxr, H).reshape(2 * H, L, D)
    w_row = w_pred.reshape(1, D)
    qa, sim_a = _tc_half_a(ga, att_mat, w_row)
    logits, sim = _tc_half_b(gb, att_mat, w_row, b_pred, qa, sim_a)
    return logits, sim

# --- scband reference (transcript-rebuilt; emitter-appended) ---
"""Pipeline reference for scband-context-interaction-model-26096221290655 (READ-ONLY COPY).

The authoritative reference and input builder live on the scoring server;
editing this copy changes nothing except your own understanding.
"""

import jax, jax.numpy as jnp
import numpy as np

B, L, V, D = 16, 512, 100000, 128

def setup_inputs(seed: int = 0) -> dict:
    key = jax.random.key(seed)
    ks = jax.random.split(key, 8)
    t1s = jax.random.randint(ks[0], (B,), 0, V)
    t2s = jax.random.randint(ks[1], (B,), 0, V)
    t1_contexts = jax.random.randint(ks[2], (B, L), 0, V)
    t2_contexts = jax.random.randint(ks[3], (B, L), 0, V)
    table = jax.random.normal(ks[4], (V, D), dtype=jnp.float32) * 0.02
    att_mat = jax.random.normal(ks[5], (D, D), dtype=jnp.float32) * (1.0 / np.sqrt(D))
    w_pred = jax.random.normal(ks[6], (D, 1), dtype=jnp.float32) * (1.0 / np.sqrt(D))
    b_pred = jnp.zeros((1,), dtype=jnp.float32)
    return {"t1s": t1s, "t2s": t2s, "t1_contexts": t1_contexts, "t2_contexts": t2_contexts,
            "table": table, "att_mat": att_mat, "w_pred": w_pred, "b_pred": b_pred}


def reference(t1s, t2s, t1_contexts, t2_contexts, table, att_mat, w_pred, b_pred):
    # dropout in eval mode -> identity
    t1_embed = jnp.take(table, t1s, axis=0)  # computed as in torch forward (unused by dynamic logits)
    t2_embed = jnp.take(table, t2s, axis=0)

    def per_item(c1, c2):
        e1 = jnp.take(table, c1, axis=0)
        e1 = e1 / jnp.linalg.norm(e1)  # torch.norm(mat, p=2) = Frobenius norm of whole matrix
        e2 = jnp.take(table, c2, axis=0)
        e2 = e2 / jnp.linalg.norm(e2)
        mat_sim = jnp.tanh((e1 @ att_mat) @ e2.T)  # [L, L]
        rows = jax.nn.softmax(jnp.mean(mat_sim, axis=1), axis=0)[:, None]
        cols = jax.nn.softmax(jnp.mean(mat_sim, axis=0), axis=0)[:, None]
        new_A = jnp.sum(e1 * rows, axis=0)
        new_B = jnp.sum(e2 * cols, axis=0)
        return new_A, new_B, mat_sim

    ctx_t1s, ctx_t2s, pair_scores = jax.vmap(per_item)(t1_contexts, t2_contexts)
    logits = ((ctx_t1s * ctx_t2s) @ w_pred + b_pred).reshape(-1)  # linear_pred_3
    return logits, pair_scores

if __name__ == "__main__":
    import jax
    _d = setup_inputs()
    print(jax.jit(kernel)(*tuple(_d.values())))

</pallas_src>

<mosaic_0001>
#map = affine_map<(d0, d1) -> (0, 0)>
#map1 = affine_map<(d0, d1) -> (0, 0, 0, 0)>
module attributes {stable_mosaic.version = 14 : i64} {
  func.func @k(%arg0: i32, %arg1: i32, %arg2: memref<100000x128xf32, #tpu.memory_space<hbm>>, %arg3: memref<128x128xi32, #tpu.memory_space<hbm>>, %arg4: memref<2x8x512x128xf32, #tpu.memory_space<hbm>>, %arg5: memref<2x128xi32, #tpu.memory_space<vmem>>, %arg6: memref<256x128xf32, #tpu.memory_space<vmem>>, %arg7: memref<!tpu.dma_semaphore, #tpu.memory_space<semaphore_mem>>, %arg8: memref<!tpu.dma_semaphore, #tpu.memory_space<semaphore_mem>>) attributes {dimension_semantics = [#tpu.dimension_semantics<core_parallel>, #tpu.dimension_semantics<subcore_parallel>], iteration_bounds = array<i64: 2, 16>, scalar_prefetch = 0 : i64, scratch_operands = 4 : i64, tpu.core_type = #tpu.core_type<sc_vector_subcore>, window_params = [{transform_indices = #map}, {transform_indices = #map}, {transform_indices = #map1}]} {
    %mul3A = arith.constant 2 : i32
    %mul3A_0 = arith.muli %arg1, %mul3A : i32
    %add3A = arith.addi %mul3A_0, %arg0 : i32
    %jit3A = arith.constant 16 : i32
    %div3A = arith.divsi %add3A, %jit3A : i32
    %sign3A = arith.constant 0 : i32
    %sign3A_1 = arith.cmpi sgt, %add3A, %sign3A : i32
    %sign3A_2 = arith.extui %sign3A_1 : i1 to i32
    %sign3A_3 = arith.constant 0 : i32
    %sign3A_4 = arith.cmpi slt, %add3A, %sign3A_3 : i32
    %sign3A_5 = arith.extui %sign3A_4 : i1 to i32
    %sign3A_6 = arith.subi %sign3A_2, %sign3A_5 : i32
    %sign3A_7 = arith.constant 0 : i32
    %sign3A_8 = arith.cmpi sgt, %jit3A, %sign3A_7 : i32
    %sign3A_9 = arith.extui %sign3A_8 : i1 to i32
    %sign3A_10 = arith.constant 0 : i32
    %sign3A_11 = arith.cmpi slt, %jit3A, %sign3A_10 : i32
    %sign3A_12 = arith.extui %sign3A_11 : i1 to i32
    %sign3A_13 = arith.subi %sign3A_9, %sign3A_12 : i32
    %ne3A = arith.cmpi ne, %sign3A_6, %sign3A_13 : i32
    %rem3A = arith.remsi %add3A, %jit3A : i32
    %ne3A_14 = arith.constant 0 : i32
    %ne3A_15 = arith.cmpi ne, %rem3A, %ne3A_14 : i32
    %and3A = arith.andi %ne3A, %ne3A_15 : i1
    %sub3A = arith.constant 1 : i32
    %sub3A_16 = arith.subi %div3A, %sub3A : i32
    %select_n3A = arith.select %and3A, %sub3A_16, %div3A : i32
    %jit3A_17 = arith.constant 16 : i32
    %eq3A = arith.constant 0 : i32
    %eq3A_18 = arith.cmpi eq, %jit3A_17, %eq3A : i32
    %jit3A_19 = arith.constant 1 : i32
    %select_n3A_20 = arith.select %eq3A_18, %jit3A_19, %jit3A_17 : i32
    %rem3A_21 = arith.remsi %add3A, %select_n3A_20 : i32
    %ne3A_22 = arith.constant 0 : i32
    %ne3A_23 = arith.cmpi ne, %rem3A_21, %ne3A_22 : i32
    %lt3A = arith.constant 0 : i32
    %lt3A_24 = arith.cmpi slt, %rem3A_21, %lt3A : i32
    %lt3A_25 = arith.constant 0 : i32
    %lt3A_26 = arith.cmpi slt, %select_n3A_20, %lt3A_25 : i32
    %ne3A_27 = arith.xori %lt3A_24, %lt3A_26 : i1
    %and3A_28 = arith.andi %ne3A_27, %ne3A_23 : i1
    %add3A_29 = arith.addi %rem3A_21, %select_n3A_20 : i32
    %select_n3A_30 = arith.select %and3A_28, %add3A_29, %rem3A_21 : i32
    %jit3A_31 = arith.constant 2 : i32
    %div3A_32 = arith.divsi %select_n3A_30, %jit3A_31 : i32
    %sign3A_33 = arith.constant 0 : i32
    %sign3A_34 = arith.cmpi sgt, %select_n3A_30, %sign3A_33 : i32
    %sign3A_35 = arith.extui %sign3A_34 : i1 to i32
    %sign3A_36 = arith.constant 0 : i32
    %sign3A_37 = arith.cmpi slt, %select_n3A_30, %sign3A_36 : i32
    %sign3A_38 = arith.extui %sign3A_37 : i1 to i32
    %sign3A_39 = arith.subi %sign3A_35, %sign3A_38 : i32
    %sign3A_40 = arith.constant 0 : i32
    %sign3A_41 = arith.cmpi sgt, %jit3A_31, %sign3A_40 : i32
    %sign3A_42 = arith.extui %sign3A_41 : i1 to i32
    %sign3A_43 = arith.constant 0 : i32
    %sign3A_44 = arith.cmpi slt, %jit3A_31, %sign3A_43 : i32
    %sign3A_45 = arith.extui %sign3A_44 : i1 to i32
    %sign3A_46 = arith.subi %sign3A_42, %sign3A_45 : i32
    %ne3A_47 = arith.cmpi ne, %sign3A_39, %sign3A_46 : i32
    %rem3A_48 = arith.remsi %select_n3A_30, %jit3A_31 : i32
    %ne3A_49 = arith.constant 0 : i32
    %ne3A_50 = arith.cmpi ne, %rem3A_48, %ne3A_49 : i32
    %and3A_51 = arith.andi %ne3A_47, %ne3A_50 : i1
    %sub3A_52 = arith.constant 1 : i32
    %sub3A_53 = arith.subi %div3A_32, %sub3A_52 : i32
    %select_n3A_54 = arith.select %and3A_51, %sub3A_53, %div3A_32 : i32
    %jit3A_55 = arith.constant 2 : i32
    %eq3A_56 = arith.constant 0 : i32
    %eq3A_57 = arith.cmpi eq, %jit3A_55, %eq3A_56 : i32
    %jit3A_58 = arith.constant 1 : i32
    %select_n3A_59 = arith.select %eq3A_57, %jit3A_58, %jit3A_55 : i32
    %rem3A_60 = arith.remsi %select_n3A_30, %select_n3A_59 : i32
    %ne3A_61 = arith.constant 0 : i32
    %ne3A_62 = arith.cmpi ne, %rem3A_60, %ne3A_61 : i32
    %lt3A_63 = arith.constant 0 : i32
    %lt3A_64 = arith.cmpi slt, %rem3A_60, %lt3A_63 : i32
    %lt3A_65 = arith.constant 0 : i32
    %lt3A_66 = arith.cmpi slt, %select_n3A_59, %lt3A_65 : i32
    %ne3A_67 = arith.xori %lt3A_64, %lt3A_66 : i1
    %and3A_68 = arith.andi %ne3A_67, %ne3A_62 : i1
    %add3A_69 = arith.addi %rem3A_60, %select_n3A_59 : i32
    %select_n3A_70 = arith.select %and3A_68, %add3A_69, %rem3A_60 : i32
    %mul3A_71 = arith.constant 64 : i32
    %mul3A_72 = arith.muli %select_n3A, %mul3A_71 : i32
    %add3A_73 = arith.constant 0 : i32
    %add3A_74 = arith.addi %add3A_73, %select_n3A_54 : i32
    %mul3A_75 = arith.constant 4 : i32
    %mul3A_76 = arith.muli %add3A_74, %mul3A_75 : i32
    %add3A_77 = arith.addi %mul3A_72, %mul3A_76 : i32
    %mul3A_78 = arith.constant 2 : i32
    %mul3A_79 = arith.muli %select_n3A_70, %mul3A_78 : i32
    %add3A_80 = arith.addi %add3A_77, %mul3A_79 : i32
    "tpu.region"() ({
      %run_scoped3A = tpu.sem_alloc : memref<!tpu.dma_semaphore, #tpu.memory_space<semaphore_mem>>
      %dma_start3A_177 = arith.constant 0 : i32
      %dma_start3A_178 = tpu.memref_slice %arg3[%add3A_80, %dma_start3A_177] : memref<128x128xi32, #tpu.memory_space<hbm>> -> memref<2x128xi32, #tpu.memory_space<hbm>>
      %dma_start3A_179 = arith.constant 0 : i32
      %dma_start3A_180 = tpu.memref_slice %arg3[%add3A_80, %dma_start3A_179] : memref<128x128xi32, #tpu.memory_space<hbm>> -> memref<2x128xi32, #tpu.memory_space<hbm>>
      tpu.enqueue_dma source(%dma_start3A_180 : memref<2x128xi32, #tpu.memory_space<hbm>>) target(%arg5 : memref<2x128xi32, #tpu.memory_space<vmem>>) target_semaphore(%run_scoped3A : memref<!tpu.dma_semaphore, #tpu.memory_space<semaphore_mem>>)
      %dma_wait3A_181 = arith.constant 0 : i32
      %dma_wait3A_182 = tpu.memref_slice %arg3[%add3A_80, %dma_wait3A_181] : memref<128x128xi32, #tpu.memory_space<hbm>> -> memref<2x128xi32, #tpu.memory_space<hbm>>
      %dma_wait3A_183 = arith.constant 0 : i32
      %dma_wait3A_184 = tpu.memref_slice %arg3[%add3A_80, %dma_wait3A_183] : memref<128x128xi32, #tpu.memory_space<hbm>> -> memref<2x128xi32, #tpu.memory_space<hbm>>
      tpu.wait_dma2 semaphore(%run_scoped3A : memref<!tpu.dma_semaphore, #tpu.memory_space<semaphore_mem>>) src(%dma_wait3A_184 : memref<2x128xi32, #tpu.memory_space<hbm>>) dst(%arg5 : memref<2x128xi32, #tpu.memory_space<vmem>>)
      tpu.yield
    }) : () -> ()
    %dma_start3A = arith.constant 0 : i32
    %dma_start3A_81 = arith.constant 0 : i32
    %dma_start3A_82 = arith.constant 0 : i32
    %dma_start3A_83 = tpu.memref_slice %arg6[%dma_start3A_81, %dma_start3A_82] : memref<256x128xf32, #tpu.memory_space<vmem>> -> memref<128x128xf32, #tpu.memory_space<vmem>>
    %dma_start3A_84 = arith.constant 0 : i32
    %dma_start3A_85 = tpu.memref_slice %arg5[%dma_start3A, %dma_start3A_84] : memref<2x128xi32, #tpu.memory_space<vmem>> -> memref<1x128xi32, #tpu.memory_space<vmem>>
    %dma_start3A_86 = tpu.memref_squeeze %dma_start3A_85 : memref<1x128xi32, #tpu.memory_space<vmem>> -> memref<128xi32, #tpu.memory_space<vmem>>
    %dma_start3A_87 = arith.constant 0 : i32
    %dma_start3A_88 = arith.constant 0 : i32
    %dma_start3A_89 = tpu.memref_slice %arg2[%dma_start3A_87, %dma_start3A_88] : memref<100000x128xf32, #tpu.memory_space<hbm>> -> memref<100000x128xf32, #tpu.memory_space<hbm>>
    tpu.enqueue_indirect_dma source(%dma_start3A_89 : memref<100000x128xf32, #tpu.memory_space<hbm>>) target(%dma_start3A_83 : memref<128x128xf32, #tpu.memory_space<vmem>>) offsets(%dma_start3A_86 : memref<128xi32, #tpu.memory_space<vmem>>) semaphore(%arg7 : memref<!tpu.dma_semaphore, #tpu.memory_space<semaphore_mem>>)
    %dma_start3A_90 = arith.constant 1 : i32
    %dma_start3A_91 = arith.constant 128 : i32
    %dma_start3A_92 = arith.constant 0 : i32
    %dma_start3A_93 = tpu.memref_slice %arg6[%dma_start3A_91, %dma_start3A_92] : memref<256x128xf32, #tpu.memory_space<vmem>> -> memref<128x128xf32, #tpu.memory_space<vmem>>
    %dma_start3A_94 = arith.constant 0 : i32
    %dma_start3A_95 = tpu.memref_slice %arg5[%dma_start3A_90, %dma_start3A_94] : memref<2x128xi32, #tpu.memory_space<vmem>> -> memref<1x128xi32, #tpu.memory_space<vmem>>
    %dma_start3A_96 = tpu.memref_squeeze %dma_start3A_95 : memref<1x128xi32, #tpu.memory_space<vmem>> -> memref<128xi32, #tpu.memory_space<vmem>>
    %dma_start3A_97 = arith.constant 0 : i32
    %dma_start3A_98 = arith.constant 0 : i32
    %dma_start3A_99 = tpu.memref_slice %arg2[%dma_start3A_97, %dma_start3A_98] : memref<100000x128xf32, #tpu.memory_space<hbm>> -> memref<100000x128xf32, #tpu.memory_space<hbm>>
    tpu.enqueue_indirect_dma source(%dma_start3A_99 : memref<100000x128xf32, #tpu.memory_space<hbm>>) target(%dma_start3A_93 : memref<128x128xf32, #tpu.memory_space<vmem>>) offsets(%dma_start3A_96 : memref<128xi32, #tpu.memory_space<vmem>>) semaphore(%arg7 : memref<!tpu.dma_semaphore, #tpu.memory_space<semaphore_mem>>)
    %dma_wait3A = arith.constant 0 : i32
    %dma_wait3A_100 = arith.constant 0 : i32
    %dma_wait3A_101 = arith.constant 0 : i32
    %dma_wait3A_102 = tpu.memref_slice %arg6[%dma_wait3A_100, %dma_wait3A_101] : memref<256x128xf32, #tpu.memory_space<vmem>> -> memref<128x128xf32, #tpu.memory_space<vmem>>
    %dma_wait3A_103 = arith.constant 0 : i32
    %dma_wait3A_104 = tpu.memref_slice %arg5[%dma_wait3A, %dma_wait3A_103] : memref<2x128xi32, #tpu.memory_space<vmem>> -> memref<1x128xi32, #tpu.memory_space<vmem>>
    %dma_wait3A_105 = tpu.memref_squeeze %dma_wait3A_104 : memref<1x128xi32, #tpu.memory_space<vmem>> -> memref<128xi32, #tpu.memory_space<vmem>>
    %dma_wait3A_106 = arith.constant 0 : i32
    %dma_wait3A_107 = arith.constant 0 : i32
    %dma_wait3A_108 = tpu.memref_slice %arg2[%dma_wait3A_106, %dma_wait3A_107] : memref<100000x128xf32, #tpu.memory_space<hbm>> -> memref<100000x128xf32, #tpu.memory_space<hbm>>
    tpu.wait_indirect_dma semaphore(%arg7 : memref<!tpu.dma_semaphore, #tpu.memory_space<semaphore_mem>>) src(%dma_wait3A_108 : memref<100000x128xf32, #tpu.memory_space<hbm>>) dst(%dma_wait3A_102 : memref<128x128xf32, #tpu.memory_space<vmem>>)
    %mul3A_109 = arith.constant 2 : i32
    %mul3A_110 = arith.muli %select_n3A_70, %mul3A_109 : i32
    %mul3A_111 = arith.constant 128 : i32
    %mul3A_112 = arith.muli %mul3A_110, %mul3A_111 : i32
    %dma_start3A_113 = arith.constant 0 : i32
    %dma_start3A_114 = arith.constant 0 : i32
    %dma_start3A_115 = tpu.memref_slice %arg6[%dma_start3A_113, %dma_start3A_114] : memref<256x128xf32, #tpu.memory_space<vmem>> -> memref<128x128xf32, #tpu.memory_space<vmem>>
    %dma_start3A_116 = arith.constant 0 : i32
    %dma_start3A_117 = tpu.memref_slice %arg4[%select_n3A, %select_n3A_54, %mul3A_112, %dma_start3A_116] : memref<2x8x512x128xf32, #tpu.memory_space<hbm>> -> memref<1x1x128x128xf32, #tpu.memory_space<hbm>>
    %dma_start3A_118 = tpu.memref_squeeze %dma_start3A_117 : memref<1x1x128x128xf32, #tpu.memory_space<hbm>> -> memref<128x128xf32, #tpu.memory_space<hbm>>
    %dma_start3A_119 = arith.constant 0 : i32
    %dma_start3A_120 = tpu.memref_slice %arg4[%select_n3A, %select_n3A_54, %mul3A_112, %dma_start3A_119] : memref<2x8x512x128xf32, #tpu.memory_space<hbm>> -> memref<1x1x128x128xf32, #tpu.memory_space<hbm>>
    %dma_start3A_121 = tpu.memref_squeeze %dma_start3A_120 : memref<1x1x128x128xf32, #tpu.memory_space<hbm>> -> memref<128x128xf32, #tpu.memory_space<hbm>>
    %dma_start3A_122 = arith.constant 0 : i32
    %dma_start3A_123 = arith.constant 0 : i32
    %dma_start3A_124 = tpu.memref_slice %arg6[%dma_start3A_122, %dma_start3A_123] : memref<256x128xf32, #tpu.memory_space<vmem>> -> memref<128x128xf32, #tpu.memory_space<vmem>>
    tpu.enqueue_dma source(%dma_start3A_124 : memref<128x128xf32, #tpu.memory_space<vmem>>) target(%dma_start3A_121 : memref<128x128xf32, #tpu.memory_space<hbm>>) target_semaphore(%arg8 : memref<!tpu.dma_semaphore, #tpu.memory_space<semaphore_mem>>)
    %dma_wait3A_125 = arith.constant 1 : i32
    %dma_wait3A_126 = arith.constant 128 : i32
    %dma_wait3A_127 = arith.constant 0 : i32
    %dma_wait3A_128 = tpu.memref_slice %arg6[%dma_wait3A_126, %dma_wait3A_127] : memref<256x128xf32, #tpu.memory_space<vmem>> -> memref<128x128xf32, #tpu.memory_space<vmem>>
    %dma_wait3A_129 = arith.constant 0 : i32
    %dma_wait3A_130 = tpu.memref_slice %arg5[%dma_wait3A_125, %dma_wait3A_129] : memref<2x128xi32, #tpu.memory_space<vmem>> -> memref<1x128xi32, #tpu.memory_space<vmem>>
    %dma_wait3A_131 = tpu.memref_squeeze %dma_wait3A_130 : memref<1x128xi32, #tpu.memory_space<vmem>> -> memref<128xi32, #tpu.memory_space<vmem>>
    %dma_wait3A_132 = arith.constant 0 : i32
    %dma_wait3A_133 = arith.constant 0 : i32
    %dma_wait3A_134 = tpu.memref_slice %arg2[%dma_wait3A_132, %dma_wait3A_133] : memref<100000x128xf32, #tpu.memory_space<hbm>> -> memref<100000x128xf32, #tpu.memory_space<hbm>>
    tpu.wait_indirect_dma semaphore(%arg7 : memref<!tpu.dma_semaphore, #tpu.memory_space<semaphore_mem>>) src(%dma_wait3A_134 : memref<100000x128xf32, #tpu.memory_space<hbm>>) dst(%dma_wait3A_128 : memref<128x128xf32, #tpu.memory_space<vmem>>)
    %mul3A_135 = arith.constant 2 : i32
    %mul3A_136 = arith.muli %select_n3A_70, %mul3A_135 : i32
    %mul3A_137 = arith.constant 128 : i32
    %mul3A_138 = arith.muli %mul3A_136, %mul3A_137 : i32
    %add3A_139 = arith.constant 128 : i32
    %add3A_140 = arith.addi %mul3A_138, %add3A_139 : i32
    %dma_start3A_141 = arith.constant 128 : i32
    %dma_start3A_142 = arith.constant 0 : i32
    %dma_start3A_143 = tpu.memref_slice %arg6[%dma_start3A_141, %dma_start3A_142] : memref<256x128xf32, #tpu.memory_space<vmem>> -> memref<128x128xf32, #tpu.memory_space<vmem>>
    %dma_start3A_144 = arith.constant 0 : i32
    %dma_start3A_145 = tpu.memref_slice %arg4[%select_n3A, %select_n3A_54, %add3A_140, %dma_start3A_144] : memref<2x8x512x128xf32, #tpu.memory_space<hbm>> -> memref<1x1x128x128xf32, #tpu.memory_space<hbm>>
    %dma_start3A_146 = tpu.memref_squeeze %dma_start3A_145 : memref<1x1x128x128xf32, #tpu.memory_space<hbm>> -> memref<128x128xf32, #tpu.memory_space<hbm>>
    %dma_start3A_147 = arith.constant 0 : i32
    %dma_start3A_148 = tpu.memref_slice %arg4[%select_n3A, %select_n3A_54, %add3A_140, %dma_start3A_147] : memref<2x8x512x128xf32, #tpu.memory_space<hbm>> -> memref<1x1x128x128xf32, #tpu.memory_space<hbm>>
    %dma_start3A_149 = tpu.memref_squeeze %dma_start3A_148 : memref<1x1x128x128xf32, #tpu.memory_space<hbm>> -> memref<128x128xf32, #tpu.memory_space<hbm>>
    %dma_start3A_150 = arith.constant 128 : i32
    %dma_start3A_151 = arith.constant 0 : i32
    %dma_start3A_152 = tpu.memref_slice %arg6[%dma_start3A_150, %dma_start3A_151] : memref<256x128xf32, #tpu.memory_space<vmem>> -> memref<128x128xf32, #tpu.memory_space<vmem>>
    tpu.enqueue_dma source(%dma_start3A_152 : memref<128x128xf32, #tpu.memory_space<vmem>>) target(%dma_start3A_149 : memref<128x128xf32, #tpu.memory_space<hbm>>) target_semaphore(%arg8 : memref<!tpu.dma_semaphore, #tpu.memory_space<semaphore_mem>>)
    %dma_wait3A_153 = arith.constant 0 : i32
    %dma_wait3A_154 = arith.constant 0 : i32
    %dma_wait3A_155 = tpu.memref_slice %arg6[%dma_wait3A_153, %dma_wait3A_154] : memref<256x128xf32, #tpu.memory_space<vmem>> -> memref<128x128xf32, #tpu.memory_space<vmem>>
    %dma_wait3A_156 = arith.constant 0 : i32
    %dma_wait3A_157 = tpu.memref_slice %arg4[%select_n3A, %select_n3A_54, %mul3A_112, %dma_wait3A_156] : memref<2x8x512x128xf32, #tpu.memory_space<hbm>> -> memref<1x1x128x128xf32, #tpu.memory_space<hbm>>
    %dma_wait3A_158 = tpu.memref_squeeze %dma_wait3A_157 : memref<1x1x128x128xf32, #tpu.memory_space<hbm>> -> memref<128x128xf32, #tpu.memory_space<hbm>>
    %dma_wait3A_159 = arith.constant 0 : i32
    %dma_wait3A_160 = tpu.memref_slice %arg4[%select_n3A, %select_n3A_54, %mul3A_112, %dma_wait3A_159] : memref<2x8x512x128xf32, #tpu.memory_space<hbm>> -> memref<1x1x128x128xf32, #tpu.memory_space<hbm>>
    %dma_wait3A_161 = tpu.memref_squeeze %dma_wait3A_160 : memref<1x1x128x128xf32, #tpu.memory_space<hbm>> -> memref<128x128xf32, #tpu.memory_space<hbm>>
    %dma_wait3A_162 = arith.constant 0 : i32
    %dma_wait3A_163 = arith.constant 0 : i32
    %dma_wait3A_164 = tpu.memref_slice %arg6[%dma_wait3A_162, %dma_wait3A_163] : memref<256x128xf32, #tpu.memory_space<vmem>> -> memref<128x128xf32, #tpu.memory_space<vmem>>
    tpu.wait_dma2 semaphore(%arg8 : memref<!tpu.dma_semaphore, #tpu.memory_space<semaphore_mem>>) src(%dma_wait3A_164 : memref<128x128xf32, #tpu.memory_space<vmem>>) dst(%dma_wait3A_161 : memref<128x128xf32, #tpu.memory_space<hbm>>)
    %dma_wait3A_165 = arith.constant 128 : i32
    %dma_wait3A_166 = arith.constant 0 : i32
    %dma_wait3A_167 = tpu.memref_slice %arg6[%dma_wait3A_165, %dma_wait3A_166] : memref<256x128xf32, #tpu.memory_space<vmem>> -> memref<128x128xf32, #tpu.memory_space<vmem>>
    %dma_wait3A_168 = arith.constant 0 : i32
    %dma_wait3A_169 = tpu.memref_slice %arg4[%select_n3A, %select_n3A_54, %add3A_140, %dma_wait3A_168] : memref<2x8x512x128xf32, #tpu.memory_space<hbm>> -> memref<1x1x128x128xf32, #tpu.memory_space<hbm>>
    %dma_wait3A_170 = tpu.memref_squeeze %dma_wait3A_169 : memref<1x1x128x128xf32, #tpu.memory_space<hbm>> -> memref<128x128xf32, #tpu.memory_space<hbm>>
    %dma_wait3A_171 = arith.constant 0 : i32
    %dma_wait3A_172 = tpu.memref_slice %arg4[%select_n3A, %select_n3A_54, %add3A_140, %dma_wait3A_171] : memref<2x8x512x128xf32, #tpu.memory_space<hbm>> -> memref<1x1x128x128xf32, #tpu.memory_space<hbm>>
    %dma_wait3A_173 = tpu.memref_squeeze %dma_wait3A_172 : memref<1x1x128x128xf32, #tpu.memory_space<hbm>> -> memref<128x128xf32, #tpu.memory_space<hbm>>
    %dma_wait3A_174 = arith.constant 128 : i32
    %dma_wait3A_175 = arith.constant 0 : i32
    %dma_wait3A_176 = tpu.memref_slice %arg6[%dma_wait3A_174, %dma_wait3A_175] : memref<256x128xf32, #tpu.memory_space<vmem>> -> memref<128x128xf32, #tpu.memory_space<vmem>>
    tpu.wait_dma2 semaphore(%arg8 : memref<!tpu.dma_semaphore, #tpu.memory_space<semaphore_mem>>) src(%dma_wait3A_176 : memref<128x128xf32, #tpu.memory_space<vmem>>) dst(%dma_wait3A_173 : memref<128x128xf32, #tpu.memory_space<hbm>>)
    return
  }
}

#map = affine_map<(d0, d1) -> (0, 0)>
#map1 = affine_map<(d0, d1) -> (0, 0, 0, 0)>
module attributes {stable_mosaic.version = 14 : i64} {
  func.func @k(%arg0: i32, %arg1: i32, %arg2: memref<100000x128xf32, #tpu.memory_space<hbm>>, %arg3: memref<128x128xi32, #tpu.memory_space<hbm>>, %arg4: memref<2x8x512x128xf32, #tpu.memory_space<hbm>>, %arg5: memref<2x128xi32, #tpu.memory_space<vmem>>, %arg6: memref<256x128xf32, #tpu.memory_space<vmem>>, %arg7: memref<!tpu.dma_semaphore, #tpu.memory_space<semaphore_mem>>, %arg8: memref<!tpu.dma_semaphore, #tpu.memory_space<semaphore_mem>>) attributes {dimension_semantics = [#tpu.dimension_semantics<core_parallel>, #tpu.dimension_semantics<subcore_parallel>], iteration_bounds = array<i64: 2, 16>, scalar_prefetch = 0 : i64, scratch_operands = 4 : i64, tpu.core_type = #tpu.core_type<sc_vector_subcore>, window_params = [{transform_indices = #map}, {transform_indices = #map}, {transform_indices = #map1}]} {
    %mul3A = arith.constant 2 : i32
    %mul3A_0 = arith.muli %arg1, %mul3A : i32
    %add3A = arith.addi %mul3A_0, %arg0 : i32
    %jit3A = arith.constant 16 : i32
    %div3A = arith.divsi %add3A, %jit3A : i32
    %sign3A = arith.constant 0 : i32
    %sign3A_1 = arith.cmpi sgt, %add3A, %sign3A : i32
    %sign3A_2 = arith.extui %sign3A_1 : i1 to i32
    %sign3A_3 = arith.constant 0 : i32
    %sign3A_4 = arith.cmpi slt, %add3A, %sign3A_3 : i32
    %sign3A_5 = arith.extui %sign3A_4 : i1 to i32
    %sign3A_6 = arith.subi %sign3A_2, %sign3A_5 : i32
    %sign3A_7 = arith.constant 0 : i32
    %sign3A_8 = arith.cmpi sgt, %jit3A, %sign3A_7 : i32
    %sign3A_9 = arith.extui %sign3A_8 : i1 to i32
    %sign3A_10 = arith.constant 0 : i32
    %sign3A_11 = arith.cmpi slt, %jit3A, %sign3A_10 : i32
    %sign3A_12 = arith.extui %sign3A_11 : i1 to i32
    %sign3A_13 = arith.subi %sign3A_9, %sign3A_12 : i32
    %ne3A = arith.cmpi ne, %sign3A_6, %sign3A_13 : i32
    %rem3A = arith.remsi %add3A, %jit3A : i32
    %ne3A_14 = arith.constant 0 : i32
    %ne3A_15 = arith.cmpi ne, %rem3A, %ne3A_14 : i32
    %and3A = arith.andi %ne3A, %ne3A_15 : i1
    %sub3A = arith.constant 1 : i32
    %sub3A_16 = arith.subi %div3A, %sub3A : i32
    %select_n3A = arith.select %and3A, %sub3A_16, %div3A : i32
    %jit3A_17 = arith.constant 16 : i32
    %eq3A = arith.constant 0 : i32
    %eq3A_18 = arith.cmpi eq, %jit3A_17, %eq3A : i32
    %jit3A_19 = arith.constant 1 : i32
    %select_n3A_20 = arith.select %eq3A_18, %jit3A_19, %jit3A_17 : i32
    %rem3A_21 = arith.remsi %add3A, %select_n3A_20 : i32
    %ne3A_22 = arith.constant 0 : i32
    %ne3A_23 = arith.cmpi ne, %rem3A_21, %ne3A_22 : i32
    %lt3A = arith.constant 0 : i32
    %lt3A_24 = arith.cmpi slt, %rem3A_21, %lt3A : i32
    %lt3A_25 = arith.constant 0 : i32
    %lt3A_26 = arith.cmpi slt, %select_n3A_20, %lt3A_25 : i32
    %ne3A_27 = arith.xori %lt3A_24, %lt3A_26 : i1
    %and3A_28 = arith.andi %ne3A_27, %ne3A_23 : i1
    %add3A_29 = arith.addi %rem3A_21, %select_n3A_20 : i32
    %select_n3A_30 = arith.select %and3A_28, %add3A_29, %rem3A_21 : i32
    %jit3A_31 = arith.constant 2 : i32
    %div3A_32 = arith.divsi %select_n3A_30, %jit3A_31 : i32
    %sign3A_33 = arith.constant 0 : i32
    %sign3A_34 = arith.cmpi sgt, %select_n3A_30, %sign3A_33 : i32
    %sign3A_35 = arith.extui %sign3A_34 : i1 to i32
    %sign3A_36 = arith.constant 0 : i32
    %sign3A_37 = arith.cmpi slt, %select_n3A_30, %sign3A_36 : i32
    %sign3A_38 = arith.extui %sign3A_37 : i1 to i32
    %sign3A_39 = arith.subi %sign3A_35, %sign3A_38 : i32
    %sign3A_40 = arith.constant 0 : i32
    %sign3A_41 = arith.cmpi sgt, %jit3A_31, %sign3A_40 : i32
    %sign3A_42 = arith.extui %sign3A_41 : i1 to i32
    %sign3A_43 = arith.constant 0 : i32
    %sign3A_44 = arith.cmpi slt, %jit3A_31, %sign3A_43 : i32
    %sign3A_45 = arith.extui %sign3A_44 : i1 to i32
    %sign3A_46 = arith.subi %sign3A_42, %sign3A_45 : i32
    %ne3A_47 = arith.cmpi ne, %sign3A_39, %sign3A_46 : i32
    %rem3A_48 = arith.remsi %select_n3A_30, %jit3A_31 : i32
    %ne3A_49 = arith.constant 0 : i32
    %ne3A_50 = arith.cmpi ne, %rem3A_48, %ne3A_49 : i32
    %and3A_51 = arith.andi %ne3A_47, %ne3A_50 : i1
    %sub3A_52 = arith.constant 1 : i32
    %sub3A_53 = arith.subi %div3A_32, %sub3A_52 : i32
    %select_n3A_54 = arith.select %and3A_51, %sub3A_53, %div3A_32 : i32
    %jit3A_55 = arith.constant 2 : i32
    %eq3A_56 = arith.constant 0 : i32
    %eq3A_57 = arith.cmpi eq, %jit3A_55, %eq3A_56 : i32
    %jit3A_58 = arith.constant 1 : i32
    %select_n3A_59 = arith.select %eq3A_57, %jit3A_58, %jit3A_55 : i32
    %rem3A_60 = arith.remsi %select_n3A_30, %select_n3A_59 : i32
    %ne3A_61 = arith.constant 0 : i32
    %ne3A_62 = arith.cmpi ne, %rem3A_60, %ne3A_61 : i32
    %lt3A_63 = arith.constant 0 : i32
    %lt3A_64 = arith.cmpi slt, %rem3A_60, %lt3A_63 : i32
    %lt3A_65 = arith.constant 0 : i32
    %lt3A_66 = arith.cmpi slt, %select_n3A_59, %lt3A_65 : i32
    %ne3A_67 = arith.xori %lt3A_64, %lt3A_66 : i1
    %and3A_68 = arith.andi %ne3A_67, %ne3A_62 : i1
    %add3A_69 = arith.addi %rem3A_60, %select_n3A_59 : i32
    %select_n3A_70 = arith.select %and3A_68, %add3A_69, %rem3A_60 : i32
    %mul3A_71 = arith.constant 64 : i32
    %mul3A_72 = arith.muli %select_n3A, %mul3A_71 : i32
    %add3A_73 = arith.constant 8 : i32
    %add3A_74 = arith.addi %add3A_73, %select_n3A_54 : i32
    %mul3A_75 = arith.constant 4 : i32
    %mul3A_76 = arith.muli %add3A_74, %mul3A_75 : i32
    %add3A_77 = arith.addi %mul3A_72, %mul3A_76 : i32
    %mul3A_78 = arith.constant 2 : i32
    %mul3A_79 = arith.muli %select_n3A_70, %mul3A_78 : i32
    %add3A_80 = arith.addi %add3A_77, %mul3A_79 : i32
    "tpu.region"() ({
      %run_scoped3A = tpu.sem_alloc : memref<!tpu.dma_semaphore, #tpu.memory_space<semaphore_mem>>
      %dma_start3A_177 = arith.constant 0 : i32
      %dma_start3A_178 = tpu.memref_slice %arg3[%add3A_80, %dma_start3A_177] : memref<128x128xi32, #tpu.memory_space<hbm>> -> memref<2x128xi32, #tpu.memory_space<hbm>>
      %dma_start3A_179 = arith.constant 0 : i32
      %dma_start3A_180 = tpu.memref_slice %arg3[%add3A_80, %dma_start3A_179] : memref<128x128xi32, #tpu.memory_space<hbm>> -> memref<2x128xi32, #tpu.memory_space<hbm>>
      tpu.enqueue_dma source(%dma_start3A_180 : memref<2x128xi32, #tpu.memory_space<hbm>>) target(%arg5 : memref<2x128xi32, #tpu.memory_space<vmem>>) target_semaphore(%run_scoped3A : memref<!tpu.dma_semaphore, #tpu.memory_space<semaphore_mem>>)
      %dma_wait3A_181 = arith.constant 0 : i32
      %dma_wait3A_182 = tpu.memref_slice %arg3[%add3A_80, %dma_wait3A_181] : memref<128x128xi32, #tpu.memory_space<hbm>> -> memref<2x128xi32, #tpu.memory_space<hbm>>
      %dma_wait3A_183 = arith.constant 0 : i32
      %dma_wait3A_184 = tpu.memref_slice %arg3[%add3A_80, %dma_wait3A_183] : memref<128x128xi32, #tpu.memory_space<hbm>> -> memref<2x128xi32, #tpu.memory_space<hbm>>
      tpu.wait_dma2 semaphore(%run_scoped3A : memref<!tpu.dma_semaphore, #tpu.memory_space<semaphore_mem>>) src(%dma_wait3A_184 : memref<2x128xi32, #tpu.memory_space<hbm>>) dst(%arg5 : memref<2x128xi32, #tpu.memory_space<vmem>>)
      tpu.yield
    }) : () -> ()
    %dma_start3A = arith.constant 0 : i32
    %dma_start3A_81 = arith.constant 0 : i32
    %dma_start3A_82 = arith.constant 0 : i32
    %dma_start3A_83 = tpu.memref_slice %arg6[%dma_start3A_81, %dma_start3A_82] : memref<256x128xf32, #tpu.memory_space<vmem>> -> memref<128x128xf32, #tpu.memory_space<vmem>>
    %dma_start3A_84 = arith.constant 0 : i32
    %dma_start3A_85 = tpu.memref_slice %arg5[%dma_start3A, %dma_start3A_84] : memref<2x128xi32, #tpu.memory_space<vmem>> -> memref<1x128xi32, #tpu.memory_space<vmem>>
    %dma_start3A_86 = tpu.memref_squeeze %dma_start3A_85 : memref<1x128xi32, #tpu.memory_space<vmem>> -> memref<128xi32, #tpu.memory_space<vmem>>
    %dma_start3A_87 = arith.constant 0 : i32
    %dma_start3A_88 = arith.constant 0 : i32
    %dma_start3A_89 = tpu.memref_slice %arg2[%dma_start3A_87, %dma_start3A_88] : memref<100000x128xf32, #tpu.memory_space<hbm>> -> memref<100000x128xf32, #tpu.memory_space<hbm>>
    tpu.enqueue_indirect_dma source(%dma_start3A_89 : memref<100000x128xf32, #tpu.memory_space<hbm>>) target(%dma_start3A_83 : memref<128x128xf32, #tpu.memory_space<vmem>>) offsets(%dma_start3A_86 : memref<128xi32, #tpu.memory_space<vmem>>) semaphore(%arg7 : memref<!tpu.dma_semaphore, #tpu.memory_space<semaphore_mem>>)
    %dma_start3A_90 = arith.constant 1 : i32
    %dma_start3A_91 = arith.constant 128 : i32
    %dma_start3A_92 = arith.constant 0 : i32
    %dma_start3A_93 = tpu.memref_slice %arg6[%dma_start3A_91, %dma_start3A_92] : memref<256x128xf32, #tpu.memory_space<vmem>> -> memref<128x128xf32, #tpu.memory_space<vmem>>
    %dma_start3A_94 = arith.constant 0 : i32
    %dma_start3A_95 = tpu.memref_slice %arg5[%dma_start3A_90, %dma_start3A_94] : memref<2x128xi32, #tpu.memory_space<vmem>> -> memref<1x128xi32, #tpu.memory_space<vmem>>
    %dma_start3A_96 = tpu.memref_squeeze %dma_start3A_95 : memref<1x128xi32, #tpu.memory_space<vmem>> -> memref<128xi32, #tpu.memory_space<vmem>>
    %dma_start3A_97 = arith.constant 0 : i32
    %dma_start3A_98 = arith.constant 0 : i32
    %dma_start3A_99 = tpu.memref_slice %arg2[%dma_start3A_97, %dma_start3A_98] : memref<100000x128xf32, #tpu.memory_space<hbm>> -> memref<100000x128xf32, #tpu.memory_space<hbm>>
    tpu.enqueue_indirect_dma source(%dma_start3A_99 : memref<100000x128xf32, #tpu.memory_space<hbm>>) target(%dma_start3A_93 : memref<128x128xf32, #tpu.memory_space<vmem>>) offsets(%dma_start3A_96 : memref<128xi32, #tpu.memory_space<vmem>>) semaphore(%arg7 : memref<!tpu.dma_semaphore, #tpu.memory_space<semaphore_mem>>)
    %dma_wait3A = arith.constant 0 : i32
    %dma_wait3A_100 = arith.constant 0 : i32
    %dma_wait3A_101 = arith.constant 0 : i32
    %dma_wait3A_102 = tpu.memref_slice %arg6[%dma_wait3A_100, %dma_wait3A_101] : memref<256x128xf32, #tpu.memory_space<vmem>> -> memref<128x128xf32, #tpu.memory_space<vmem>>
    %dma_wait3A_103 = arith.constant 0 : i32
    %dma_wait3A_104 = tpu.memref_slice %arg5[%dma_wait3A, %dma_wait3A_103] : memref<2x128xi32, #tpu.memory_space<vmem>> -> memref<1x128xi32, #tpu.memory_space<vmem>>
    %dma_wait3A_105 = tpu.memref_squeeze %dma_wait3A_104 : memref<1x128xi32, #tpu.memory_space<vmem>> -> memref<128xi32, #tpu.memory_space<vmem>>
    %dma_wait3A_106 = arith.constant 0 : i32
    %dma_wait3A_107 = arith.constant 0 : i32
    %dma_wait3A_108 = tpu.memref_slice %arg2[%dma_wait3A_106, %dma_wait3A_107] : memref<100000x128xf32, #tpu.memory_space<hbm>> -> memref<100000x128xf32, #tpu.memory_space<hbm>>
    tpu.wait_indirect_dma semaphore(%arg7 : memref<!tpu.dma_semaphore, #tpu.memory_space<semaphore_mem>>) src(%dma_wait3A_108 : memref<100000x128xf32, #tpu.memory_space<hbm>>) dst(%dma_wait3A_102 : memref<128x128xf32, #tpu.memory_space<vmem>>)
    %mul3A_109 = arith.constant 2 : i32
    %mul3A_110 = arith.muli %select_n3A_70, %mul3A_109 : i32
    %mul3A_111 = arith.constant 128 : i32
    %mul3A_112 = arith.muli %mul3A_110, %mul3A_111 : i32
    %dma_start3A_113 = arith.constant 0 : i32
    %dma_start3A_114 = arith.constant 0 : i32
    %dma_start3A_115 = tpu.memref_slice %arg6[%dma_start3A_113, %dma_start3A_114] : memref<256x128xf32, #tpu.memory_space<vmem>> -> memref<128x128xf32, #tpu.memory_space<vmem>>
    %dma_start3A_116 = arith.constant 0 : i32
    %dma_start3A_117 = tpu.memref_slice %arg4[%select_n3A, %select_n3A_54, %mul3A_112, %dma_start3A_116] : memref<2x8x512x128xf32, #tpu.memory_space<hbm>> -> memref<1x1x128x128xf32, #tpu.memory_space<hbm>>
    %dma_start3A_118 = tpu.memref_squeeze %dma_start3A_117 : memref<1x1x128x128xf32, #tpu.memory_space<hbm>> -> memref<128x128xf32, #tpu.memory_space<hbm>>
    %dma_start3A_119 = arith.constant 0 : i32
    %dma_start3A_120 = tpu.memref_slice %arg4[%select_n3A, %select_n3A_54, %mul3A_112, %dma_start3A_119] : memref<2x8x512x128xf32, #tpu.memory_space<hbm>> -> memref<1x1x128x128xf32, #tpu.memory_space<hbm>>
    %dma_start3A_121 = tpu.memref_squeeze %dma_start3A_120 : memref<1x1x128x128xf32, #tpu.memory_space<hbm>> -> memref<128x128xf32, #tpu.memory_space<hbm>>
    %dma_start3A_122 = arith.constant 0 : i32
    %dma_start3A_123 = arith.constant 0 : i32
    %dma_start3A_124 = tpu.memref_slice %arg6[%dma_start3A_122, %dma_start3A_123] : memref<256x128xf32, #tpu.memory_space<vmem>> -> memref<128x128xf32, #tpu.memory_space<vmem>>
    tpu.enqueue_dma source(%dma_start3A_124 : memref<128x128xf32, #tpu.memory_space<vmem>>) target(%dma_start3A_121 : memref<128x128xf32, #tpu.memory_space<hbm>>) target_semaphore(%arg8 : memref<!tpu.dma_semaphore, #tpu.memory_space<semaphore_mem>>)
    %dma_wait3A_125 = arith.constant 1 : i32
    %dma_wait3A_126 = arith.constant 128 : i32
    %dma_wait3A_127 = arith.constant 0 : i32
    %dma_wait3A_128 = tpu.memref_slice %arg6[%dma_wait3A_126, %dma_wait3A_127] : memref<256x128xf32, #tpu.memory_space<vmem>> -> memref<128x128xf32, #tpu.memory_space<vmem>>
    %dma_wait3A_129 = arith.constant 0 : i32
    %dma_wait3A_130 = tpu.memref_slice %arg5[%dma_wait3A_125, %dma_wait3A_129] : memref<2x128xi32, #tpu.memory_space<vmem>> -> memref<1x128xi32, #tpu.memory_space<vmem>>
    %dma_wait3A_131 = tpu.memref_squeeze %dma_wait3A_130 : memref<1x128xi32, #tpu.memory_space<vmem>> -> memref<128xi32, #tpu.memory_space<vmem>>
    %dma_wait3A_132 = arith.constant 0 : i32
    %dma_wait3A_133 = arith.constant 0 : i32
    %dma_wait3A_134 = tpu.memref_slice %arg2[%dma_wait3A_132, %dma_wait3A_133] : memref<100000x128xf32, #tpu.memory_space<hbm>> -> memref<100000x128xf32, #tpu.memory_space<hbm>>
    tpu.wait_indirect_dma semaphore(%arg7 : memref<!tpu.dma_semaphore, #tpu.memory_space<semaphore_mem>>) src(%dma_wait3A_134 : memref<100000x128xf32, #tpu.memory_space<hbm>>) dst(%dma_wait3A_128 : memref<128x128xf32, #tpu.memory_space<vmem>>)
    %mul3A_135 = arith.constant 2 : i32
    %mul3A_136 = arith.muli %select_n3A_70, %mul3A_135 : i32
    %mul3A_137 = arith.constant 128 : i32
    %mul3A_138 = arith.muli %mul3A_136, %mul3A_137 : i32
    %add3A_139 = arith.constant 128 : i32
    %add3A_140 = arith.addi %mul3A_138, %add3A_139 : i32
    %dma_start3A_141 = arith.constant 128 : i32
    %dma_start3A_142 = arith.constant 0 : i32
    %dma_start3A_143 = tpu.memref_slice %arg6[%dma_start3A_141, %dma_start3A_142] : memref<256x128xf32, #tpu.memory_space<vmem>> -> memref<128x128xf32, #tpu.memory_space<vmem>>
    %dma_start3A_144 = arith.constant 0 : i32
    %dma_start3A_145 = tpu.memref_slice %arg4[%select_n3A, %select_n3A_54, %add3A_140, %dma_start3A_144] : memref<2x8x512x128xf32, #tpu.memory_space<hbm>> -> memref<1x1x128x128xf32, #tpu.memory_space<hbm>>
    %dma_start3A_146 = tpu.memref_squeeze %dma_start3A_145 : memref<1x1x128x128xf32, #tpu.memory_space<hbm>> -> memref<128x128xf32, #tpu.memory_space<hbm>>
    %dma_start3A_147 = arith.constant 0 : i32
    %dma_start3A_148 = tpu.memref_slice %arg4[%select_n3A, %select_n3A_54, %add3A_140, %dma_start3A_147] : memref<2x8x512x128xf32, #tpu.memory_space<hbm>> -> memref<1x1x128x128xf32, #tpu.memory_space<hbm>>
    %dma_start3A_149 = tpu.memref_squeeze %dma_start3A_148 : memref<1x1x128x128xf32, #tpu.memory_space<hbm>> -> memref<128x128xf32, #tpu.memory_space<hbm>>
    %dma_start3A_150 = arith.constant 128 : i32
    %dma_start3A_151 = arith.constant 0 : i32
    %dma_start3A_152 = tpu.memref_slice %arg6[%dma_start3A_150, %dma_start3A_151] : memref<256x128xf32, #tpu.memory_space<vmem>> -> memref<128x128xf32, #tpu.memory_space<vmem>>
    tpu.enqueue_dma source(%dma_start3A_152 : memref<128x128xf32, #tpu.memory_space<vmem>>) target(%dma_start3A_149 : memref<128x128xf32, #tpu.memory_space<hbm>>) target_semaphore(%arg8 : memref<!tpu.dma_semaphore, #tpu.memory_space<semaphore_mem>>)
    %dma_wait3A_153 = arith.constant 0 : i32
    %dma_wait3A_154 = arith.constant 0 : i32
    %dma_wait3A_155 = tpu.memref_slice %arg6[%dma_wait3A_153, %dma_wait3A_154] : memref<256x128xf32, #tpu.memory_space<vmem>> -> memref<128x128xf32, #tpu.memory_space<vmem>>
    %dma_wait3A_156 = arith.constant 0 : i32
    %dma_wait3A_157 = tpu.memref_slice %arg4[%select_n3A, %select_n3A_54, %mul3A_112, %dma_wait3A_156] : memref<2x8x512x128xf32, #tpu.memory_space<hbm>> -> memref<1x1x128x128xf32, #tpu.memory_space<hbm>>
    %dma_wait3A_158 = tpu.memref_squeeze %dma_wait3A_157 : memref<1x1x128x128xf32, #tpu.memory_space<hbm>> -> memref<128x128xf32, #tpu.memory_space<hbm>>
    %dma_wait3A_159 = arith.constant 0 : i32
    %dma_wait3A_160 = tpu.memref_slice %arg4[%select_n3A, %select_n3A_54, %mul3A_112, %dma_wait3A_159] : memref<2x8x512x128xf32, #tpu.memory_space<hbm>> -> memref<1x1x128x128xf32, #tpu.memory_space<hbm>>
    %dma_wait3A_161 = tpu.memref_squeeze %dma_wait3A_160 : memref<1x1x128x128xf32, #tpu.memory_space<hbm>> -> memref<128x128xf32, #tpu.memory_space<hbm>>
    %dma_wait3A_162 = arith.constant 0 : i32
    %dma_wait3A_163 = arith.constant 0 : i32
    %dma_wait3A_164 = tpu.memref_slice %arg6[%dma_wait3A_162, %dma_wait3A_163] : memref<256x128xf32, #tpu.memory_space<vmem>> -> memref<128x128xf32, #tpu.memory_space<vmem>>
    tpu.wait_dma2 semaphore(%arg8 : memref<!tpu.dma_semaphore, #tpu.memory_space<semaphore_mem>>) src(%dma_wait3A_164 : memref<128x128xf32, #tpu.memory_space<vmem>>) dst(%dma_wait3A_161 : memref<128x128xf32, #tpu.memory_space<hbm>>)
    %dma_wait3A_165 = arith.constant 128 : i32
    %dma_wait3A_166 = arith.constant 0 : i32
    %dma_wait3A_167 = tpu.memref_slice %arg6[%dma_wait3A_165, %dma_wait3A_166] : memref<256x128xf32, #tpu.memory_space<vmem>> -> memref<128x128xf32, #tpu.memory_space<vmem>>
    %dma_wait3A_168 = arith.constant 0 : i32
    %dma_wait3A_169 = tpu.memref_slice %arg4[%select_n3A, %select_n3A_54, %add3A_140, %dma_wait3A_168] : memref<2x8x512x128xf32, #tpu.memory_space<hbm>> -> memref<1x1x128x128xf32, #tpu.memory_space<hbm>>
    %dma_wait3A_170 = tpu.memref_squeeze %dma_wait3A_169 : memref<1x1x128x128xf32, #tpu.memory_space<hbm>> -> memref<128x128xf32, #tpu.memory_space<hbm>>
    %dma_wait3A_171 = arith.constant 0 : i32
    %dma_wait3A_172 = tpu.memref_slice %arg4[%select_n3A, %select_n3A_54, %add3A_140, %dma_wait3A_171] : memref<2x8x512x128xf32, #tpu.memory_space<hbm>> -> memref<1x1x128x128xf32, #tpu.memory_space<hbm>>
    %dma_wait3A_173 = tpu.memref_squeeze %dma_wait3A_172 : memref<1x1x128x128xf32, #tpu.memory_space<hbm>> -> memref<128x128xf32, #tpu.memory_space<hbm>>
    %dma_wait3A_174 = arith.constant 128 : i32
    %dma_wait3A_175 = arith.constant 0 : i32
    %dma_wait3A_176 = tpu.memref_slice %arg6[%dma_wait3A_174, %dma_wait3A_175] : memref<256x128xf32, #tpu.memory_space<vmem>> -> memref<128x128xf32, #tpu.memory_space<vmem>>
    tpu.wait_dma2 semaphore(%arg8 : memref<!tpu.dma_semaphore, #tpu.memory_space<semaphore_mem>>) src(%dma_wait3A_176 : memref<128x128xf32, #tpu.memory_space<vmem>>) dst(%dma_wait3A_173 : memref<128x128xf32, #tpu.memory_space<hbm>>)
    return
  }
}

module attributes {stable_mosaic.version = 14 : i64} {
  func.func @_tc_body_b(%arg0: i32, %arg1: memref<1x512x128xf32, #tpu.memory_space<vmem>>, %arg2: memref<1x512x128xf32, #tpu.memory_space<vmem>>, %arg3: memref<128x128xf32, #tpu.memory_space<vmem>>, %arg4: memref<1x128xf32, #tpu.memory_space<vmem>>, %arg5: memref<1xf32, #tpu.memory_space<smem>>, %arg6: memref<8x128xf32, #tpu.memory_space<vmem>>, %arg7: memref<16x512x512xf32, #tpu.memory_space<any>>, %arg8: memref<16xf32, #tpu.memory_space<vmem>>, %arg9: memref<1x512x512xf32, #tpu.memory_space<vmem>>, %arg10: memref<8x128xf32, #tpu.memory_space<vmem>>) attributes {dimension_semantics = [#tpu.dimension_semantics<arbitrary>], iteration_bounds = array<i64: 8>, scalar_prefetch = 0 : i64, scratch_operands = 1 : i64, tpu.core_type = #tpu.core_type<tc>, window_params = [{transform_indices = @transform_0, window_bounds = array<i64: 1, 512, 128>}, {transform_indices = @transform_1, window_bounds = array<i64: 1, 512, 128>}, {pipeline_mode = #tpu.pipeline_mode<synchronous>, transform_indices = @transform_2, window_bounds = array<i64: 128, 128>}, {pipeline_mode = #tpu.pipeline_mode<synchronous>, transform_indices = @transform_3, window_bounds = array<i64: 1, 128>}, {transform_indices = @transform_4, window_bounds = array<i64: 1>}, {pipeline_mode = #tpu.pipeline_mode<synchronous>, transform_indices = @transform_5, window_bounds = array<i64: 8, 128>}, {}, {pipeline_mode = #tpu.pipeline_mode<synchronous>, transform_indices = @transform_7, window_bounds = array<i64: 16>}, {transform_indices = @transform_8, window_bounds = array<i64: 1, 512, 512>}]} {
    %get3A = arith.constant 0 : index
    %get3A_0 = arith.constant 0 : index
    %get3A_1 = arith.constant 0 : index
    %get3A_2 = vector.load %arg1[%get3A, %get3A_0, %get3A_1] : memref<1x512x128xf32, #tpu.memory_space<vmem>>, vector<1x512x128xf32>
    %get3A_3 = vector.shape_cast %get3A_2 : vector<1x512x128xf32> to vector<512x128xf32>
    %get3A_4 = arith.constant 0 : index
    %get3A_5 = arith.constant 0 : index
    %get3A_6 = arith.constant 0 : index
    %get3A_7 = vector.load %arg2[%get3A_4, %get3A_5, %get3A_6] : memref<1x512x128xf32, #tpu.memory_space<vmem>>, vector<1x512x128xf32>
    %get3A_8 = vector.shape_cast %get3A_7 : vector<1x512x128xf32> to vector<512x128xf32>
    %get3A_9 = arith.constant 0 : index
    %get3A_10 = arith.constant 0 : index
    %get3A_11 = vector.load %arg3[%get3A_9, %get3A_10] : memref<128x128xf32, #tpu.memory_space<vmem>>, vector<128x128xf32>
    %get3A_12 = arith.constant 0 : index
    %get3A_13 = arith.constant 0 : index
    %get3A_14 = vector.load %arg4[%get3A_12, %get3A_13] : memref<1x128xf32, #tpu.memory_space<vmem>>, vector<1x128xf32>
    %mul3A = arith.mulf %get3A_3, %get3A_3 : vector<512x128xf32>
    %reduce_sum3A = vector.shape_cast %mul3A : vector<512x128xf32> to vector<1x512x128xf32>
    %reduce_sum3A_15 = arith.constant dense<0.000000e+00> : vector<1xf32>
    %reduce_sum3A_16 = vector.multi_reduction <add>, %reduce_sum3A, %reduce_sum3A_15 [1, 2] : vector<1x512x128xf32> to vector<1xf32>
    %reduce_sum3A_17 = vector.shape_cast %reduce_sum3A_16 : vector<1xf32> to vector<1x1x1xf32>
    %reduce_sum3A_18 = vector.extract %reduce_sum3A_17[0, 0, 0] : f32 from vector<1x1x1xf32>
    %mul3A_19 = arith.mulf %get3A_8, %get3A_8 : vector<512x128xf32>
    %reduce_sum3A_20 = vector.shape_cast %mul3A_19 : vector<512x128xf32> to vector<1x512x128xf32>
    %reduce_sum3A_21 = arith.constant dense<0.000000e+00> : vector<1xf32>
    %reduce_sum3A_22 = vector.multi_reduction <add>, %reduce_sum3A_20, %reduce_sum3A_21 [1, 2] : vector<1x512x128xf32> to vector<1xf32>
    %reduce_sum3A_23 = vector.shape_cast %reduce_sum3A_22 : vector<1xf32> to vector<1x1x1xf32>
    %reduce_sum3A_24 = vector.extract %reduce_sum3A_23[0, 0, 0] : f32 from vector<1x1x1xf32>
    %mul3A_25 = arith.mulf %reduce_sum3A_18, %reduce_sum3A_24 : f32
    %sqrt3A = math.sqrt %mul3A_25 : f32
    %div3A = arith.constant 1.000000e+00 : f32
    %div3A_26 = arith.divf %div3A, %sqrt3A : f32
    %dot_general3A = arith.constant dense<0.000000e+00> : vector<512x128xf32>
    %dot_general3A_27 = tpu.matmul %get3A_3, %get3A_11, %dot_general3A {dimension_numbers = #tpu.dot_dimension_numbers<[1], [0], [0], [1], [0, 0, 1, 1], [], []>, transpose_lhs_hint = false} : vector<512x128xf32>, vector<128x128xf32>, vector<512x128xf32> -> vector<512x128xf32>
    %dot_general3A_28 = arith.constant dense<0.000000e+00> : vector<512x512xf32>
    %dot_general3A_29 = tpu.matmul %dot_general3A_27, %get3A_8, %dot_general3A_28 {dimension_numbers = #tpu.dot_dimension_numbers<[1], [1], [0], [0], [0, 0, 1, 0], [], []>, transpose_lhs_hint = false} : vector<512x128xf32>, vector<512x128xf32>, vector<512x512xf32> -> vector<512x512xf32>
    %mul3A_30 = vector.broadcast %div3A_26 : f32 to vector<512x512xf32>
    %mul3A_31 = arith.mulf %dot_general3A_29, %mul3A_30 : vector<512x512xf32>
    %tanh3A = math.tanh %mul3A_31 : vector<512x512xf32>
    %broadcast_in_dim3A = arith.constant 1.000000e+00 : f32
    %broadcast_in_dim3A_32 = vector.broadcast %broadcast_in_dim3A : f32 to vector<1x512xf32>
    %dot_general3A_33 = arith.constant dense<0.000000e+00> : vector<1x512xf32>
    %dot_general3A_34 = tpu.matmul %broadcast_in_dim3A_32, %tanh3A, %dot_general3A_33 {dimension_numbers = #tpu.dot_dimension_numbers<[1], [1], [0], [0], [0, 0, 1, 0], [], []>, transpose_lhs_hint = false} : vector<1x512xf32>, vector<512x512xf32>, vector<1x512xf32> -> vector<1x512xf32>
    %dot_general3A_35 = arith.constant dense<0.000000e+00> : vector<1x512xf32>
    %dot_general3A_36 = tpu.matmul %broadcast_in_dim3A_32, %tanh3A, %dot_general3A_35 {dimension_numbers = #tpu.dot_dimension_numbers<[1], [0], [0], [1], [0, 0, 1, 1], [], []>, transpose_lhs_hint = false} : vector<1x512xf32>, vector<512x512xf32>, vector<1x512xf32> -> vector<1x512xf32>
    %mul3A_37 = arith.constant 0.001953125 : f32
    %mul3A_38 = vector.broadcast %mul3A_37 : f32 to vector<1x512xf32>
    %mul3A_39 = arith.mulf %dot_general3A_34, %mul3A_38 : vector<1x512xf32>
    %reduce_max3A = vector.shape_cast %mul3A_39 : vector<1x512xf32> to vector<1x1x512xf32>
    %reduce_max3A_40 = arith.constant dense<0xFF800000> : vector<1xf32>
    %reduce_max3A_41 = vector.multi_reduction <maximumf>, %reduce_max3A, %reduce_max3A_40 [1, 2] : vector<1x1x512xf32> to vector<1xf32>
    %reduce_max3A_42 = vector.shape_cast %reduce_max3A_41 : vector<1xf32> to vector<1x1x1xf32>
    %reduce_max3A_43 = vector.extract %reduce_max3A_42[0, 0, 0] : f32 from vector<1x1x1xf32>
    %sub3A = vector.broadcast %reduce_max3A_43 : f32 to vector<1x512xf32>
    %sub3A_44 = arith.subf %mul3A_39, %sub3A : vector<1x512xf32>
    %exp3A = math.exp %sub3A_44 : vector<1x512xf32>
    %reduce_sum3A_45 = vector.shape_cast %exp3A : vector<1x512xf32> to vector<1x1x512xf32>
    %reduce_sum3A_46 = arith.constant dense<0.000000e+00> : vector<1xf32>
    %reduce_sum3A_47 = vector.multi_reduction <add>, %reduce_sum3A_45, %reduce_sum3A_46 [1, 2] : vector<1x1x512xf32> to vector<1xf32>
    %reduce_sum3A_48 = vector.shape_cast %reduce_sum3A_47 : vector<1xf32> to vector<1x1x1xf32>
    %reduce_sum3A_49 = vector.extract %reduce_sum3A_48[0, 0, 0] : f32 from vector<1x1x1xf32>
    %div3A_50 = vector.broadcast %reduce_sum3A_49 : f32 to vector<1x512xf32>
    %div3A_51 = arith.divf %exp3A, %div3A_50 : vector<1x512xf32>
    %dot_general3A_52 = arith.constant dense<0.000000e+00> : vector<1x128xf32>
    %dot_general3A_53 = tpu.matmul %div3A_51, %get3A_3, %dot_general3A_52 {dimension_numbers = #tpu.dot_dimension_numbers<[1], [0], [0], [1], [0, 0, 1, 1], [], []>, transpose_lhs_hint = false} : vector<1x512xf32>, vector<512x128xf32>, vector<1x128xf32> -> vector<1x128xf32>
    %mul3A_54 = arith.constant 0.001953125 : f32
    %mul3A_55 = vector.broadcast %mul3A_54 : f32 to vector<1x512xf32>
    %mul3A_56 = arith.mulf %dot_general3A_36, %mul3A_55 : vector<1x512xf32>
    %reduce_max3A_57 = vector.shape_cast %mul3A_56 : vector<1x512xf32> to vector<1x1x512xf32>
    %reduce_max3A_58 = arith.constant dense<0xFF800000> : vector<1xf32>
    %reduce_max3A_59 = vector.multi_reduction <maximumf>, %reduce_max3A_57, %reduce_max3A_58 [1, 2] : vector<1x1x512xf32> to vector<1xf32>
    %reduce_max3A_60 = vector.shape_cast %reduce_max3A_59 : vector<1xf32> to vector<1x1x1xf32>
    %reduce_max3A_61 = vector.extract %reduce_max3A_60[0, 0, 0] : f32 from vector<1x1x1xf32>
    %sub3A_62 = vector.broadcast %reduce_max3A_61 : f32 to vector<1x512xf32>
    %sub3A_63 = arith.subf %mul3A_56, %sub3A_62 : vector<1x512xf32>
    %exp3A_64 = math.exp %sub3A_63 : vector<1x512xf32>
    %reduce_sum3A_65 = vector.shape_cast %exp3A_64 : vector<1x512xf32> to vector<1x1x512xf32>
    %reduce_sum3A_66 = arith.constant dense<0.000000e+00> : vector<1xf32>
    %reduce_sum3A_67 = vector.multi_reduction <add>, %reduce_sum3A_65, %reduce_sum3A_66 [1, 2] : vector<1x1x512xf32> to vector<1xf32>
    %reduce_sum3A_68 = vector.shape_cast %reduce_sum3A_67 : vector<1xf32> to vector<1x1x1xf32>
    %reduce_sum3A_69 = vector.extract %reduce_sum3A_68[0, 0, 0] : f32 from vector<1x1x1xf32>
    %div3A_70 = vector.broadcast %reduce_sum3A_69 : f32 to vector<1x512xf32>
    %div3A_71 = arith.divf %exp3A_64, %div3A_70 : vector<1x512xf32>
    %dot_general3A_72 = arith.constant dense<0.000000e+00> : vector<1x128xf32>
    %dot_general3A_73 = tpu.matmul %div3A_71, %get3A_8, %dot_general3A_72 {dimension_numbers = #tpu.dot_dimension_numbers<[1], [0], [0], [1], [0, 0, 1, 1], [], []>, transpose_lhs_hint = false} : vector<1x512xf32>, vector<512x128xf32>, vector<1x128xf32> -> vector<1x128xf32>
    %mul3A_74 = arith.mulf %dot_general3A_53, %dot_general3A_73 : vector<1x128xf32>
    %mul3A_75 = arith.mulf %mul3A_74, %get3A_14 : vector<1x128xf32>
    %mul3A_76 = vector.broadcast %div3A_26 : f32 to vector<1x128xf32>
    %mul3A_77 = arith.mulf %mul3A_75, %mul3A_76 : vector<1x128xf32>
    %swap3A = arith.constant 0 : index
    %swap3A_78 = arith.constant 0 : index
    %swap3A_79 = arith.constant 0 : index
    %swap3A_80 = vector.load %arg9[%swap3A, %swap3A_78, %swap3A_79] : memref<1x512x512xf32, #tpu.memory_space<vmem>>, vector<1x512x512xf32>
    %swap3A_81 = vector.shape_cast %swap3A_80 : vector<1x512x512xf32> to vector<512x512xf32>
    %swap3A_82 = vector.shape_cast %tanh3A : vector<512x512xf32> to vector<1x512x512xf32>
    tpu.vector_store %arg9[%swap3A, %swap3A_78, %swap3A_79], %swap3A_82 {strides = array<i32>} : memref<1x512x512xf32, #tpu.memory_space<vmem>>, vector<1x512x512xf32>,
    %swap3A_83 = arith.index_cast %arg0 : i32 to index
    %swap3A_84 = arith.constant 0 : index
    %swap3A_85 = vector.load %arg10[%swap3A_83, %swap3A_84] : memref<8x128xf32, #tpu.memory_space<vmem>>, vector<1x128xf32>
    tpu.vector_store %arg10[%swap3A_83, %swap3A_84], %mul3A_77 {strides = array<i32>} : memref<8x128xf32, #tpu.memory_space<vmem>>, vector<1x128xf32>,
    %eq3A = arith.constant 7 : i32
    %eq3A_86 = arith.cmpi eq, %arg0, %eq3A : i32
    %convert_element_type3A = arith.extui %eq3A_86 : i1 to i32
    %cond3A = arith.constant 0 : i32
    %cond3A_87 = arith.cmpi ne, %convert_element_type3A, %cond3A : i32
    scf.if %cond3A_87 {
      %get3A_88 = arith.constant 0 : index
      %get3A_89 = arith.constant 0 : index
      %get3A_90 = vector.load %arg6[%get3A_88, %get3A_89] : memref<8x128xf32, #tpu.memory_space<vmem>>, vector<8x128xf32>
      %get3A_91 = arith.constant 0 : index
      %get3A_92 = arith.constant 0 : index
      %get3A_93 = vector.load %arg10[%get3A_91, %get3A_92] : memref<8x128xf32, #tpu.memory_space<vmem>>, vector<8x128xf32>
      %concatenate3A = tpu.concatenate %get3A_90, %get3A_93 in 0 : vector<8x128xf32>, vector<8x128xf32> -> vector<16x128xf32>
      %reduce_sum3A_94 = arith.constant dense<0.000000e+00> : vector<16xf32>
      %reduce_sum3A_95 = vector.multi_reduction <add>, %concatenate3A, %reduce_sum3A_94 [1] : vector<16x128xf32> to vector<16xf32>
      %get3A_96 = arith.constant 0 : index
      %get3A_97 = memref.load %arg5[%get3A_96] : memref<1xf32, #tpu.memory_space<smem>>
      %add3A = vector.broadcast %get3A_97 : f32 to vector<16xf32>
      %add3A_98 = arith.addf %reduce_sum3A_95, %add3A : vector<16xf32>
      %swap3A_99 = arith.constant 0 : index
      %swap3A_100 = vector.load %arg8[%swap3A_99] : memref<16xf32, #tpu.memory_space<vmem>>, vector<16xf32>
      tpu.vector_store %arg8[%swap3A_99], %add3A_98 {strides = array<i32>} : memref<16xf32, #tpu.memory_space<vmem>>, vector<16xf32>,
    } else {
    }
    return
  }
  func.func @transform_0(%arg0: i32) -> (i32, i32, i32) {
    %c0_i32 = arith.constant 0 : i32
    %c0_i32_0 = arith.constant 0 : i32
    %c0_i32_1 = arith.constant 0 : i32
    return %arg0, %c0_i32, %c0_i32_0 : i32, i32, i32
  }
  func.func @transform_1(%arg0: i32) -> (i32, i32, i32) {
    %add3A = arith.constant 8 : i32
    %add3A_0 = arith.addi %arg0, %add3A : i32
    %c0_i32 = arith.constant 0 : i32
    %c0_i32_1 = arith.constant 0 : i32
    %c0_i32_2 = arith.constant 0 : i32
    return %add3A_0, %c0_i32, %c0_i32_1 : i32, i32, i32
  }
  func.func @transform_2(%arg0: i32) -> (i32, i32) {
    %c0_i32 = arith.constant 0 : i32
    %c0_i32_0 = arith.constant 0 : i32
    %c0_i32_1 = arith.constant 0 : i32
    return %c0_i32, %c0_i32_0 : i32, i32
  }
  func.func @transform_3(%arg0: i32) -> (i32, i32) {
    %c0_i32 = arith.constant 0 : i32
    %c0_i32_0 = arith.constant 0 : i32
    %c0_i32_1 = arith.constant 0 : i32
    return %c0_i32, %c0_i32_0 : i32, i32
  }
  func.func @transform_4(%arg0: i32) -> i32 {
    %c0_i32 = arith.constant 0 : i32
    %c0_i32_0 = arith.constant 0 : i32
    return %c0_i32 : i32
  }
  func.func @transform_5(%arg0: i32) -> (i32, i32) {
    %c0_i32 = arith.constant 0 : i32
    %c0_i32_0 = arith.constant 0 : i32
    %c0_i32_1 = arith.constant 0 : i32
    return %c0_i32, %c0_i32_0 : i32, i32
  }
  func.func @transform_7(%arg0: i32) -> i32 {
    %c0_i32 = arith.constant 0 : i32
    %c0_i32_0 = arith.constant 0 : i32
    return %c0_i32 : i32
  }
  func.func @transform_8(%arg0: i32) -> (i32, i32, i32) {
    %add3A = arith.constant 8 : i32
    %add3A_0 = arith.addi %arg0, %add3A : i32
    %c0_i32 = arith.constant 0 : i32
    %c0_i32_1 = arith.constant 0 : i32
    %c0_i32_2 = arith.constant 0 : i32
    return %add3A_0, %c0_i32, %c0_i32_1 : i32, i32, i32
  }
}

module attributes {stable_mosaic.version = 14 : i64} {
  func.func @_tc_body_a(%arg0: i32, %arg1: memref<1x512x128xf32, #tpu.memory_space<vmem>>, %arg2: memref<1x512x128xf32, #tpu.memory_space<vmem>>, %arg3: memref<128x128xf32, #tpu.memory_space<vmem>>, %arg4: memref<1x128xf32, #tpu.memory_space<vmem>>, %arg5: memref<8x128xf32, #tpu.memory_space<vmem>>, %arg6: memref<1x512x512xf32, #tpu.memory_space<vmem>>) attributes {dimension_semantics = [#tpu.dimension_semantics<arbitrary>], iteration_bounds = array<i64: 8>, scalar_prefetch = 0 : i64, scratch_operands = 0 : i64, tpu.core_type = #tpu.core_type<tc>, window_params = [{transform_indices = @transform_0, window_bounds = array<i64: 1, 512, 128>}, {transform_indices = @transform_1, window_bounds = array<i64: 1, 512, 128>}, {pipeline_mode = #tpu.pipeline_mode<synchronous>, transform_indices = @transform_2, window_bounds = array<i64: 128, 128>}, {pipeline_mode = #tpu.pipeline_mode<synchronous>, transform_indices = @transform_3, window_bounds = array<i64: 1, 128>}, {pipeline_mode = #tpu.pipeline_mode<synchronous>, transform_indices = @transform_4, window_bounds = array<i64: 8, 128>}, {transform_indices = @transform_5, window_bounds = array<i64: 1, 512, 512>}]} {
    %get3A = arith.constant 0 : index
    %get3A_0 = arith.constant 0 : index
    %get3A_1 = arith.constant 0 : index
    %get3A_2 = vector.load %arg1[%get3A, %get3A_0, %get3A_1] : memref<1x512x128xf32, #tpu.memory_space<vmem>>, vector<1x512x128xf32>
    %get3A_3 = vector.shape_cast %get3A_2 : vector<1x512x128xf32> to vector<512x128xf32>
    %get3A_4 = arith.constant 0 : index
    %get3A_5 = arith.constant 0 : index
    %get3A_6 = arith.constant 0 : index
    %get3A_7 = vector.load %arg2[%get3A_4, %get3A_5, %get3A_6] : memref<1x512x128xf32, #tpu.memory_space<vmem>>, vector<1x512x128xf32>
    %get3A_8 = vector.shape_cast %get3A_7 : vector<1x512x128xf32> to vector<512x128xf32>
    %get3A_9 = arith.constant 0 : index
    %get3A_10 = arith.constant 0 : index
    %get3A_11 = vector.load %arg3[%get3A_9, %get3A_10] : memref<128x128xf32, #tpu.memory_space<vmem>>, vector<128x128xf32>
    %get3A_12 = arith.constant 0 : index
    %get3A_13 = arith.constant 0 : index
    %get3A_14 = vector.load %arg4[%get3A_12, %get3A_13] : memref<1x128xf32, #tpu.memory_space<vmem>>, vector<1x128xf32>
    %mul3A = arith.mulf %get3A_3, %get3A_3 : vector<512x128xf32>
    %reduce_sum3A = vector.shape_cast %mul3A : vector<512x128xf32> to vector<1x512x128xf32>
    %reduce_sum3A_15 = arith.constant dense<0.000000e+00> : vector<1xf32>
    %reduce_sum3A_16 = vector.multi_reduction <add>, %reduce_sum3A, %reduce_sum3A_15 [1, 2] : vector<1x512x128xf32> to vector<1xf32>
    %reduce_sum3A_17 = vector.shape_cast %reduce_sum3A_16 : vector<1xf32> to vector<1x1x1xf32>
    %reduce_sum3A_18 = vector.extract %reduce_sum3A_17[0, 0, 0] : f32 from vector<1x1x1xf32>
    %mul3A_19 = arith.mulf %get3A_8, %get3A_8 : vector<512x128xf32>
    %reduce_sum3A_20 = vector.shape_cast %mul3A_19 : vector<512x128xf32> to vector<1x512x128xf32>
    %reduce_sum3A_21 = arith.constant dense<0.000000e+00> : vector<1xf32>
    %reduce_sum3A_22 = vector.multi_reduction <add>, %reduce_sum3A_20, %reduce_sum3A_21 [1, 2] : vector<1x512x128xf32> to vector<1xf32>
    %reduce_sum3A_23 = vector.shape_cast %reduce_sum3A_22 : vector<1xf32> to vector<1x1x1xf32>
    %reduce_sum3A_24 = vector.extract %reduce_sum3A_23[0, 0, 0] : f32 from vector<1x1x1xf32>
    %mul3A_25 = arith.mulf %reduce_sum3A_18, %reduce_sum3A_24 : f32
    %sqrt3A = math.sqrt %mul3A_25 : f32
    %div3A = arith.constant 1.000000e+00 : f32
    %div3A_26 = arith.divf %div3A, %sqrt3A : f32
    %dot_general3A = arith.constant dense<0.000000e+00> : vector<512x128xf32>
    %dot_general3A_27 = tpu.matmul %get3A_3, %get3A_11, %dot_general3A {dimension_numbers = #tpu.dot_dimension_numbers<[1], [0], [0], [1], [0, 0, 1, 1], [], []>, transpose_lhs_hint = false} : vector<512x128xf32>, vector<128x128xf32>, vector<512x128xf32> -> vector<512x128xf32>
    %dot_general3A_28 = arith.constant dense<0.000000e+00> : vector<512x512xf32>
    %dot_general3A_29 = tpu.matmul %dot_general3A_27, %get3A_8, %dot_general3A_28 {dimension_numbers = #tpu.dot_dimension_numbers<[1], [1], [0], [0], [0, 0, 1, 0], [], []>, transpose_lhs_hint = false} : vector<512x128xf32>, vector<512x128xf32>, vector<512x512xf32> -> vector<512x512xf32>
    %mul3A_30 = vector.broadcast %div3A_26 : f32 to vector<512x512xf32>
    %mul3A_31 = arith.mulf %dot_general3A_29, %mul3A_30 : vector<512x512xf32>
    %tanh3A = math.tanh %mul3A_31 : vector<512x512xf32>
    %broadcast_in_dim3A = arith.constant 1.000000e+00 : f32
    %broadcast_in_dim3A_32 = vector.broadcast %broadcast_in_dim3A : f32 to vector<1x512xf32>
    %dot_general3A_33 = arith.constant dense<0.000000e+00> : vector<1x512xf32>
    %dot_general3A_34 = tpu.matmul %broadcast_in_dim3A_32, %tanh3A, %dot_general3A_33 {dimension_numbers = #tpu.dot_dimension_numbers<[1], [1], [0], [0], [0, 0, 1, 0], [], []>, transpose_lhs_hint = false} : vector<1x512xf32>, vector<512x512xf32>, vector<1x512xf32> -> vector<1x512xf32>
    %dot_general3A_35 = arith.constant dense<0.000000e+00> : vector<1x512xf32>
    %dot_general3A_36 = tpu.matmul %broadcast_in_dim3A_32, %tanh3A, %dot_general3A_35 {dimension_numbers = #tpu.dot_dimension_numbers<[1], [0], [0], [1], [0, 0, 1, 1], [], []>, transpose_lhs_hint = false} : vector<1x512xf32>, vector<512x512xf32>, vector<1x512xf32> -> vector<1x512xf32>
    %mul3A_37 = arith.constant 0.001953125 : f32
    %mul3A_38 = vector.broadcast %mul3A_37 : f32 to vector<1x512xf32>
    %mul3A_39 = arith.mulf %dot_general3A_34, %mul3A_38 : vector<1x512xf32>
    %reduce_max3A = vector.shape_cast %mul3A_39 : vector<1x512xf32> to vector<1x1x512xf32>
    %reduce_max3A_40 = arith.constant dense<0xFF800000> : vector<1xf32>
    %reduce_max3A_41 = vector.multi_reduction <maximumf>, %reduce_max3A, %reduce_max3A_40 [1, 2] : vector<1x1x512xf32> to vector<1xf32>
    %reduce_max3A_42 = vector.shape_cast %reduce_max3A_41 : vector<1xf32> to vector<1x1x1xf32>
    %reduce_max3A_43 = vector.extract %reduce_max3A_42[0, 0, 0] : f32 from vector<1x1x1xf32>
    %sub3A = vector.broadcast %reduce_max3A_43 : f32 to vector<1x512xf32>
    %sub3A_44 = arith.subf %mul3A_39, %sub3A : vector<1x512xf32>
    %exp3A = math.exp %sub3A_44 : vector<1x512xf32>
    %reduce_sum3A_45 = vector.shape_cast %exp3A : vector<1x512xf32> to vector<1x1x512xf32>
    %reduce_sum3A_46 = arith.constant dense<0.000000e+00> : vector<1xf32>
    %reduce_sum3A_47 = vector.multi_reduction <add>, %reduce_sum3A_45, %reduce_sum3A_46 [1, 2] : vector<1x1x512xf32> to vector<1xf32>
    %reduce_sum3A_48 = vector.shape_cast %reduce_sum3A_47 : vector<1xf32> to vector<1x1x1xf32>
    %reduce_sum3A_49 = vector.extract %reduce_sum3A_48[0, 0, 0] : f32 from vector<1x1x1xf32>
    %div3A_50 = vector.broadcast %reduce_sum3A_49 : f32 to vector<1x512xf32>
    %div3A_51 = arith.divf %exp3A, %div3A_50 : vector<1x512xf32>
    %dot_general3A_52 = arith.constant dense<0.000000e+00> : vector<1x128xf32>
    %dot_general3A_53 = tpu.matmul %div3A_51, %get3A_3, %dot_general3A_52 {dimension_numbers = #tpu.dot_dimension_numbers<[1], [0], [0], [1], [0, 0, 1, 1], [], []>, transpose_lhs_hint = false} : vector<1x512xf32>, vector<512x128xf32>, vector<1x128xf32> -> vector<1x128xf32>
    %mul3A_54 = arith.constant 0.001953125 : f32
    %mul3A_55 = vector.broadcast %mul3A_54 : f32 to vector<1x512xf32>
    %mul3A_56 = arith.mulf %dot_general3A_36, %mul3A_55 : vector<1x512xf32>
    %reduce_max3A_57 = vector.shape_cast %mul3A_56 : vector<1x512xf32> to vector<1x1x512xf32>
    %reduce_max3A_58 = arith.constant dense<0xFF800000> : vector<1xf32>
    %reduce_max3A_59 = vector.multi_reduction <maximumf>, %reduce_max3A_57, %reduce_max3A_58 [1, 2] : vector<1x1x512xf32> to vector<1xf32>
    %reduce_max3A_60 = vector.shape_cast %reduce_max3A_59 : vector<1xf32> to vector<1x1x1xf32>
    %reduce_max3A_61 = vector.extract %reduce_max3A_60[0, 0, 0] : f32 from vector<1x1x1xf32>
    %sub3A_62 = vector.broadcast %reduce_max3A_61 : f32 to vector<1x512xf32>
    %sub3A_63 = arith.subf %mul3A_56, %sub3A_62 : vector<1x512xf32>
    %exp3A_64 = math.exp %sub3A_63 : vector<1x512xf32>
    %reduce_sum3A_65 = vector.shape_cast %exp3A_64 : vector<1x512xf32> to vector<1x1x512xf32>
    %reduce_sum3A_66 = arith.constant dense<0.000000e+00> : vector<1xf32>
    %reduce_sum3A_67 = vector.multi_reduction <add>, %reduce_sum3A_65, %reduce_sum3A_66 [1, 2] : vector<1x1x512xf32> to vector<1xf32>
    %reduce_sum3A_68 = vector.shape_cast %reduce_sum3A_67 : vector<1xf32> to vector<1x1x1xf32>
    %reduce_sum3A_69 = vector.extract %reduce_sum3A_68[0, 0, 0] : f32 from vector<1x1x1xf32>
    %div3A_70 = vector.broadcast %reduce_sum3A_69 : f32 to vector<1x512xf32>
    %div3A_71 = arith.divf %exp3A_64, %div3A_70 : vector<1x512xf32>
    %dot_general3A_72 = arith.constant dense<0.000000e+00> : vector<1x128xf32>
    %dot_general3A_73 = tpu.matmul %div3A_71, %get3A_8, %dot_general3A_72 {dimension_numbers = #tpu.dot_dimension_numbers<[1], [0], [0], [1], [0, 0, 1, 1], [], []>, transpose_lhs_hint = false} : vector<1x512xf32>, vector<512x128xf32>, vector<1x128xf32> -> vector<1x128xf32>
    %mul3A_74 = arith.mulf %dot_general3A_53, %dot_general3A_73 : vector<1x128xf32>
    %mul3A_75 = arith.mulf %mul3A_74, %get3A_14 : vector<1x128xf32>
    %mul3A_76 = vector.broadcast %div3A_26 : f32 to vector<1x128xf32>
    %mul3A_77 = arith.mulf %mul3A_75, %mul3A_76 : vector<1x128xf32>
    %swap3A = arith.constant 0 : index
    %swap3A_78 = arith.constant 0 : index
    %swap3A_79 = arith.constant 0 : index
    %swap3A_80 = vector.load %arg6[%swap3A, %swap3A_78, %swap3A_79] : memref<1x512x512xf32, #tpu.memory_space<vmem>>, vector<1x512x512xf32>
    %swap3A_81 = vector.shape_cast %swap3A_80 : vector<1x512x512xf32> to vector<512x512xf32>
    %swap3A_82 = vector.shape_cast %tanh3A : vector<512x512xf32> to vector<1x512x512xf32>
    tpu.vector_store %arg6[%swap3A, %swap3A_78, %swap3A_79], %swap3A_82 {strides = array<i32>} : memref<1x512x512xf32, #tpu.memory_space<vmem>>, vector<1x512x512xf32>,
    %swap3A_83 = arith.index_cast %arg0 : i32 to index
    %swap3A_84 = arith.constant 0 : index
    %swap3A_85 = vector.load %arg5[%swap3A_83, %swap3A_84] : memref<8x128xf32, #tpu.memory_space<vmem>>, vector<1x128xf32>
    tpu.vector_store %arg5[%swap3A_83, %swap3A_84], %mul3A_77 {strides = array<i32>} : memref<8x128xf32, #tpu.memory_space<vmem>>, vector<1x128xf32>,
    return
  }
  func.func @transform_0(%arg0: i32) -> (i32, i32, i32) {
    %c0_i32 = arith.constant 0 : i32
    %c0_i32_0 = arith.constant 0 : i32
    %c0_i32_1 = arith.constant 0 : i32
    return %arg0, %c0_i32, %c0_i32_0 : i32, i32, i32
  }
  func.func @transform_1(%arg0: i32) -> (i32, i32, i32) {
    %add3A = arith.constant 8 : i32
    %add3A_0 = arith.addi %arg0, %add3A : i32
    %c0_i32 = arith.constant 0 : i32
    %c0_i32_1 = arith.constant 0 : i32
    %c0_i32_2 = arith.constant 0 : i32
    return %add3A_0, %c0_i32, %c0_i32_1 : i32, i32, i32
  }
  func.func @transform_2(%arg0: i32) -> (i32, i32) {
    %c0_i32 = arith.constant 0 : i32
    %c0_i32_0 = arith.constant 0 : i32
    %c0_i32_1 = arith.constant 0 : i32
    return %c0_i32, %c0_i32_0 : i32, i32
  }
  func.func @transform_3(%arg0: i32) -> (i32, i32) {
    %c0_i32 = arith.constant 0 : i32
    %c0_i32_0 = arith.constant 0 : i32
    %c0_i32_1 = arith.constant 0 : i32
    return %c0_i32, %c0_i32_0 : i32, i32
  }
  func.func @transform_4(%arg0: i32) -> (i32, i32) {
    %c0_i32 = arith.constant 0 : i32
    %c0_i32_0 = arith.constant 0 : i32
    %c0_i32_1 = arith.constant 0 : i32
    return %c0_i32, %c0_i32_0 : i32, i32
  }
  func.func @transform_5(%arg0: i32) -> (i32, i32, i32) {
    %c0_i32 = arith.constant 0 : i32
    %c0_i32_0 = arith.constant 0 : i32
    %c0_i32_1 = arith.constant 0 : i32
    return %arg0, %c0_i32, %c0_i32_0 : i32, i32, i32
  }
}

</mosaic_0001>

<sc_bundles>
// kernel: kernel.6.cloned.1.call-start
scs
__scs_entry_jumppad:
0x0: {  	(pc) =	sbr.rel $0x88, $3  }
0x1: {  	(tag) =	ssettag $0x0;
	lr =	simm.s32 $0x1  }
0x2: {  	[smem:$0x3F9B] =	sst lr;
	_ =	strace $0xD0000000  }
0x3: {  	_ = 	snop  }
0x4: {  	_ = 	snop  }
0x5: {  	_ = 	snop  }
0x6: {  	_ = 	snop  }
0x7: {  	_ = 	snop  }
__scs_overlays_trampoline_lowered:
0x8: {  	[smem:$0x3FAA] =	sst s0  }
0x9: {  	[smem:$0x3FAB] =	sst s1  }
0xa: {  	[smem:$0x3FAC] =	sst s2  }
0xb: {  	[smem:$0x3FAD] =	sst s3  }
0xc: {  	[smem:$0x3FAE] =	sst s4  }
0xd: {  	[smem:$0x3FAF] =	sst s5  }
0xe: {  	[smem:$0x3FB0] =	sst s6  }
0xf: {  	[smem:$0x3FB1] =	sst s7  }
0x10: {  	[smem:$0x3FB2] =	sst s8  }
0x11: {  	[smem:$0x3FB3] =	sst s9;
	s0 =	simm.s32 @!p0 $0x0  }
0x12: {  	s1 =	sld [smem:$0x3F99];
	s0 =	simm.s32 @p0 $0x1  }
0x13: {  	[smem:$0x3FB4] =	sst s0;
	s0 =	simm.s32 @!p1 $0x0  }
0x14: {  	s2 =	sld [smem:$0x3F98];
	s0 =	simm.s32 @p1 $0x1  }
0x15: {  	[smem:$0x3FB5] =	sst s0;
	s0 =	simm.s32 @!p2 $0x0  }
0x16: {  	s3 =	sld [smem:$0x3FDB];
	s0 =	simm.s32 @p2 $0x1  }
0x17: {  	s4 =	simm.s32 $0x1BF5;
	[smem:$0x3FB7] =	sst s0  }
0x18: {  	s0 =	sld [smem:$0x3F9A];
	_ =	swait.ge [sflag:s4], $0x0  }
0x19: {  	s7 =	sld [smem:$0x3F9B]  }
0x1a: {  	s8 =	sadd.s32 $0xFFFFE003, lr  }
0x1b: {  	s9 =	sadd.s32 $0xFFFFFEF7, lr;
	s5 =	simm.s32 $0xFFFFFFFF;
	p2 =	slt.u32 s8, $0xFFFFF086  }
0x1c: {  	p1 =	slt.u32 s9, $0xF7A;
	s5 =	simm.s32 @!p2 $0x0  }
0x1d: {  	s5 =	simm.s32 @p1 $0x1;
	p0 =	seq.s32 s7, s2  }
0x1e: {  	s7 =	smul.u32 @!p0 $0xF7A, s2;
	p2 =	seq.s32 @!p0 s5, $0x0  }
0x1f: {  	s9 =	smul.u32 $0xF7A, s1;
	s8 =	simm.s32 @!p0 $0x1BF5;
	p2 =	por !p2, p0  }
0x20: {  	[sflag:s8] =	ssyncset.s32 @!p0 $0xFFFFF086;
	s6 =	sadd.s32 @!p0 s3, s7;
	s7 =	simm.s32 @!p0 $0x108  }
0x21: {  	s3 =	sadd.s32 s3, s9;
	s6 =	sadd.s32 @!p0 $0x88, s6;
	s7 =	simm.s32 @p2 $0x1082  }
0x22: {  	[simem:s7], [sflag:s8] =	dma.local @!p0 [hbm:s6], $0xF7A  }
0x23: {  	s9 =	sor.u32 $0xD0000000, s2;
	s6 =	simm.s32 $0x108;
	_ =	swait.ge @!p0 [sflag:s8], $0x0  }
0x24: {  	s3 =	sadd.s32 $0x88, s3;
	s6 =	simm.s32 @!p1 $0x1082;
	[sflag:s4] =	ssyncset.s32 $0xFFFFF086  }
0x25: {  	[simem:s6], [sflag:s4] =	dma.local [hbm:s3], $0xF7A  }
0x26: {  	[smem:$0x3F9B] =	sst s1;
	(tag) =	ssettag s2;
	_ =	strace s9  }
0x27: {  	s1 =	sld [smem:$0x3FAB]  }
0x28: {  	s2 =	sld [smem:$0x3FAC]  }
0x29: {  	s4 =	sld [smem:$0x3FAE]  }
0x2a: {  	p0 =	seq.s32 s5, $0x0;
	s5 =	sld [smem:$0x3FAF]  }
0x2b: {  	s6 =	sld [smem:$0x3FB0]  }
0x2c: {  	s7 =	sld [smem:$0x3FB1]  }
0x2d: {  	s3 =	simm.s32 $0x108;
	s8 =	sld [smem:$0x3FB2]  }
0x2e: {  	s3 =	simm.s32 @!p0 $0x1082;
	s9 =	sld [smem:$0x3FB3]  }
0x2f: {  	lr =	sadd.s32 s0, s3;
	s0 =	sld [smem:$0x3FAA]  }
0x30: {  	s3 =	sld [smem:$0x3FAD]  }
0x31: {  	[smem:$0x3FB6] =	sst s10  }
0x32: {  	s10 =	sld [smem:$0x3FB4];
	_ =	sdelay $0x3  }
0x33: {  	p0 =	seq.s32 s10, $0x1;
	s10 =	sld [smem:$0x3FB6];
	_ =	sdelay $0x3  }
0x34: {  	[smem:$0x3FB6] =	sst s10  }
0x35: {  	s10 =	sld [smem:$0x3FB5];
	_ =	sdelay $0x3  }
0x36: {  	p1 =	seq.s32 s10, $0x1;
	s10 =	sld [smem:$0x3FB6];
	_ =	sdelay $0x3  }
0x37: {  	[smem:$0x3FB6] =	sst s10  }
0x38: {  	s10 =	sld [smem:$0x3FB7]  }
0x39: {  	_ = 	snop;
	(pc) =	sbr.ind lr, $3  }
0x3a: {  	_ = 	snop  }
0x3b: {  	_ = 	snop  }
0x3c: {  	p2 =	seq.s32 s10, $0x1;
	s10 =	sld [smem:$0x3FB6]  }
0x3d: {  	_ =	shalt  }
0x3e: {  	_ =	shalt  }
0x3f: {  	_ =	shalt  }
0x40: {  	_ =	shalt  }
0x41: {  	_ =	shalt  }
0x42: {  	_ =	shalt  }
0x43: {  	_ =	shalt  }
0x44: {  	_ =	shalt  }
0x45: {  	_ =	shalt  }
0x46: {  	_ =	shalt  }
0x47: {  	_ =	shalt  }
0x48: {  	_ =	shalt  }
0x49: {  	_ =	shalt  }
0x4a: {  	_ =	shalt  }
0x4b: {  	_ =	shalt  }
0x4c: {  	_ =	shalt  }
0x4d: {  	_ =	shalt  }
0x4e: {  	_ =	shalt  }
0x4f: {  	_ =	shalt  }
0x50: {  	_ =	shalt  }
0x51: {  	_ =	shalt  }
0x52: {  	_ =	shalt  }
0x53: {  	_ =	shalt  }
0x54: {  	_ =	shalt  }
0x55: {  	_ =	shalt  }
0x56: {  	_ =	shalt  }
0x57: {  	_ =	shalt  }
0x58: {  	_ =	shalt  }
0x59: {  	_ =	shalt  }
0x5a: {  	_ =	shalt  }
0x5b: {  	_ =	shalt  }
0x5c: {  	_ =	shalt  }
0x5d: {  	_ =	shalt  }
0x5e: {  	_ =	shalt  }
0x5f: {  	_ =	shalt  }
0x60: {  	_ =	shalt  }
0x61: {  	_ =	shalt  }
0x62: {  	_ =	shalt  }
0x63: {  	_ =	shalt  }
0x64: {  	_ =	shalt  }
0x65: {  	_ =	shalt  }
0x66: {  	_ =	shalt  }
0x67: {  	_ =	shalt  }
0x68: {  	_ =	shalt  }
0x69: {  	_ =	shalt  }
0x6a: {  	_ =	shalt  }
0x6b: {  	_ =	shalt  }
0x6c: {  	_ =	shalt  }
0x6d: {  	_ =	shalt  }
0x6e: {  	_ =	shalt  }
0x6f: {  	_ =	shalt  }
0x70: {  	_ =	shalt  }
0x71: {  	_ =	shalt  }
0x72: {  	_ =	shalt  }
0x73: {  	_ =	shalt  }
0x74: {  	_ =	shalt  }
0x75: {  	_ =	shalt  }
0x76: {  	_ =	shalt  }
0x77: {  	_ =	shalt  }
0x78: {  	_ =	shalt  }
0x79: {  	_ =	shalt  }
0x7a: {  	_ =	shalt  }
0x7b: {  	_ =	shalt  }
0x7c: {  	_ =	shalt  }
0x7d: {  	_ =	shalt  }
0x7e: {  	_ =	shalt  }
0x7f: {  	_ =	shalt  }
0x80: {  	_ =	shalt  }
0x81: {  	_ =	shalt  }
0x82: {  	_ =	shalt  }
0x83: {  	_ =	shalt  }
0x84: {  	_ =	shalt  }
0x85: {  	_ =	shalt  }
0x86: {  	_ =	shalt  }
0x87: {  	_ =	shalt  }
.Lfunc_end0:
.L_simem_size_0:
called_computation_lowered:
.L_overlay_start_0:
0x88: {  	s2 =	sld [smem:$0x3FD9]  }
0x89: {  	s3 =	sld [smem:$0x3FFE];
	_ =	sdelay $0x1  }
0x8a: {  	s1 =	srdreg.scid  }
0x8b: {  	s0 =	sand.u32 $0x1, s1  }
0x8c: {  	s14 =	sshll.u32 s0, $0xA;
	s2 =	sadd.s32 s3, s2  }
0x8d: {  	s2 =	sadd.s32 s2, s14  }
0x8e: {  	[smem:$0x3FC2] =	sst s2  }
0x8f: {  	_ = 	snop  }
0x90: {  	s2 =	sld [smem:$0x3FD0];
	_ =	sdelay $0x2  }
0x91: {  	s4 =	simm.s32 $0xB;
	s5 =	simm.s32 $0x10;
	s15 =	sld [smem:$0x3FC7]  }
0x92: {  	[smem:s5], [sflag:s4] =	dma.local [hbm:s2], $0x1  }
0x93: {  	_ =	swait.eq [sflag:s4], $0x1  }
0x94: {  	[sflag:s4] =	ssyncset.done $0x0  }
0x95: {  	[sflag:s4] =	ssyncadd.s32 $0xFFFFFFFF  }
0x96: {  	s16 =	sld [smem:$0x11];
	(tm) =	ssettm $0x1  }
0x97: {  	s17 =	sld [smem:$0x3FFB];
	_ =	sdelay $0x3  }
0x98: {  	_ =	strace s17  }
0x99: {  	s4 =	sld [smem:$0x3FFC];
	_ =	sdelay $0x3  }
0x9a: {  	_ =	strace s4  }
0x9b: {  	s4 =	sld [smem:$0x3FFD];
	_ =	sdelay $0x3  }
0x9c: {  	_ =	strace s4  }
0x9d: {  	_ =	strace $0x8FFFFFFF  }
0x9e: {  	s18 =	sld [smem:$0x3FDB];
	_ =	sdelay $0x1  }
0x9f: {  	s19 =	simm.s32 $_scs_section_size  }
0xa0: {  	s6 =	simm.s32 $_size__tile_overlayer_lowered;
	s7 =	simm.s32 $_tile_overlayer_lowered  }
0xa1: {  	s22 =	simm.s32 $0x1BFF;
	s21 =	sshll.u32 s7, $0x1;
	s4 =	sadd.s32 s19, s18  }
0xa2: {  	s8 =	simm.s32 $0x0;
	s20 =	sshll.u32 s6, $0x1;
	s6 =	sadd.s32 s21, s4  }
0xa3: {  	[timem:s8], [sflag:s22] =	dma.local [hbm:s6], s20  }
0xa4: {  	_ =	swait.ge [sflag:s22], s20  }
0xa5: {  	s5 =	ssub.s32 $0x0, s20;
	[sflag:s22] =	ssyncset.done $0x0  }
0xa6: {  	[sflag:s22] =	ssyncadd.s32 s5;
	_ =	sdelay $0x1  }
0xa7: {  	s23 =	simm.s32 $0x1B8B  }
0xa8: {  	_ =	swait.ge [sflag:s23], $0x1  }
0xa9: {  	[sflag:s23] =	ssyncset.done $0x0  }
0xaa: {  	s25 =	simm.s32 $0x1B8E;
	s24 =	sld [smem:$0x3FFE];
	[sflag:s23] =	ssyncadd.s32 $0xFFFFFFFF  }
0xab: {  	s26 =	simm.s32 $execute0_lowered;
	[smem:$0x3FD2] =	sst s25  }
0xac: {  	s6 =	sshll.u32 s26, $0x1;
	_ =	strace $0x80000046;
	[dreg:$0x1] =	wrdreg $0xFFFFFFFF  }
0xad: {  	s28 =	simm.s32 $_size_execute0_lowered;
	s4 =	sadd.s32 s4, s6;
	[dreg:$0x0] =	wrdreg $0x0  }
0xae: {  	s6 =	sshll.u32 s28, $0x1;
	[dreg:$0x2] =	wrdreg s4  }
0xaf: {  	[dreg:$0x3] =	wrdreg s6  }
0xb0: {  	[dreg:$0x4] =	wrdreg $0xC0  }
0xb1: {  	_ =	task [dreg:s8], $0x5FFFF  }
0xb2: {  	[dreg:$0x1] =	wrdreg $0xFFFFFFFF  }
0xb3: {  	[dreg:$0x0] =	wrdreg $0x60  }
0xb4: {  	[dreg:$0x2] =	wrdreg s15  }
0xb5: {  	[dreg:$0x3] =	wrdreg s24  }
0xb6: {  	[dreg:$0x4] =	wrdreg s16  }
0xb7: {  	[dreg:$0x5] =	wrdreg $0x9  }
0xb8: {  	_ =	task.clear_ibuf [dreg:s8], $0x6FFFF;
	_ =	strace $0x90000046  }
0xb9: {  	s29 =	simm.s32 $0x9;
	_ =	strace $0x80000048  }
0xba: {  	_ =	swait.ge [sflag:s29], $0x1  }
0xbb: {  	[sflag:s29] =	ssyncadd.s32 $0xFFFFFFFF  }
0xbc: {  	_ =	strace $0x90000048  }
0xbd: {  	_ =	sfence  }
0xbe: {  	s30 =	sld [smem:$0x0];
	_ =	sdelay $0x2  }
0xbf: {  	s31 =	sshll.u32 s1, $0xD;
	s1 =	sshrl.u32 s1, $0x2  }
0xc0: {  	s3 =	sand.u32 $0x4000, s31;
	s1 =	sadd.s32 s1, s30  }
0xc1: {  	s0 =	sor.u32 s3, s0;
	s1 =	sshll.u32 s1, $0x11  }
0xc2: {  	s0 =	sor.u32 s1, s0  }
0xc3: {  	s0 =	sadd.s32 $0x8F2B, s0  }
0xc4: {  	[sflag:s0] =	ssyncadd.remote.s32 $0x1  }
0xc5: {  	_ =	sfence.sel $0xFFFF  }
0xc6: {  	[dreg:$0x0] =	wrdreg $0xFFFFFFFF;
	(pc) =	sbr.abs _section_cstart, $3  }
0xc7: {  	[dreg:$0x1] =	wrdreg $0xFFFFFFFF  }
0xc8: {  	_ =	task.clear_ibuf [dreg:s8], $0x2FFFF;
	_ =	strace $0x9FFFFFFF  }
0xc9: {  	(tm) =	ssettm $0x7FFFFFFF  }
tec
execute0_lowered:
.L_overlay_start_1:
0x0: {  	(tag) =	ssettag $0x1  }
0x1: {  	s1 =	rddreg [dreg:$0x0];
	s0 =	srdreg.scid  }
0x2: {  	s2 =	rddreg [dreg:$0x1];
	s11 =	sand.u32 $0x1, s0;
	s0 =	stileid.u32  }
0x3: {  	s10 =	rddreg [dreg:$0x2];
	s3 =	sshll.u32 s11, $0x5;
	s4 =	sshll.u32 s0, $0x6  }
0x4: {  	s6 =	sshrl.u32 s0, $0x3;
	s3 =	sadd.s32 s3, s2;
	s5 =	sand.u32 $0x180, s4  }
0x5: {  	s2 =	rddreg [dreg:$0x3];
	s7 =	sshll.u32 s6, $0xA;
	s5 =	sadd.s32 s5, s3  }
0x6: {  	s4 =	sand.u32 $0x40, s4;
	s3 =	simm.s32 $0x0;
	s5 =	sadd.s32 s7, s5  }
0x7: {  	[smem:$0x7FF] =	sst s3;
	s4 =	sadd.s32 s4, s5  }
0x8: {  	_ =	strace $0x80000047;
	s5 =	simm.s32 $0x3;
	s4 =	sadd.s32 $0x1200, s4  }
0x9: {  	[tilespmem:s3], [sflag:$0x3] =	stream.linear.gather [hbm4b:s4+s3], $0x100, $0x38;
	[tilespmem:$0x8100] =	vst v63  }
0xa: {  	_ =	swait.ge [sflag:s5], $0x100  }
0xb: {  	s8 =	sshll.u32 s0, $0xD;
	s12 =	sshll.u32 s6, $0x10;
	[sflag:s5] =	ssyncset.done $0x0  }
0xc: {  	s6 =	simm.s32 $0x80;
	s7 =	simm.s32 $0x100;
	[sflag:s5] =	ssyncadd.s32 $0xFFFFFF00  }
0xd: {  	[tilespmem:s7], [sflag:$0x1] =	stream.indirect.gather [hbm4b:s1+s6], $0x80, s3, s6, $0xb8;
	[tilespmem:$0x8100] =	vst v63  }
0xe: {  	s9 =	simm.s32 $0x1;
	s13 =	sand.u32 $0xE000, s8;
	s8 =	simm.s32 $0x4100  }
0xf: {  	[tilespmem:s8], [sflag:$0x1] =	stream.indirect.gather [hbm4b:s1+s6], $0x80, s6, s6, $0xb8;
	[tilespmem:$0x8100] =	vst v63  }
0x10: {  	s30 =	sshll.u32 s11, $0xC;
	s12 =	sor.u32 s13, s12;
	_ =	swait.ge [sflag:s9], $0x4000  }
0x11: {  	s31 =	ssub.s32 $0x2, s11;
	s12 =	sor.u32 s30, s12;
	[sflag:s9] =	ssyncset.done $0x0  }
0x12: {  	s14 =	sshrl.u32 s31, $0x1;
	s10 =	sadd.s32 s10, s12;
	[sflag:s9] =	ssyncadd.s32 $0xFFFFC000  }
0x13: {  	[hbm4b:s10+s3] =	stream.linear.scatter [tilespmem:s7], [sflag:$0x2], $0x4000, $0x38;
	[tilespmem:$0x8100] =	vst v63  }
0x14: {  	s13 =	ssub.s32 s31, s14;
	_ =	swait.ge [sflag:s9], $0x4000  }
0x15: {  	s11 =	simm.s32 $0x2;
	s13 =	smax.u32 s13, $0x1;
	[sflag:s9] =	ssyncset.done $0x0  }
0x16: {  	p0 =	sne.s32 s13, $0x1;
	s12 =	sadd.s32 $0x800, s10;
	[sflag:s9] =	ssyncadd.s32 $0xFFFFC000  }
0x17: {  	[hbm4b:s12+s3] =	stream.linear.scatter [tilespmem:s8], [sflag:$0x2], $0x4000, $0x38;
	[tilespmem:$0x8100] =	vst v63  }
.Ltmp0:
0x18: {  	_ =	swait.ge [sflag:s11], $0x4000;
	(pc) =	sbr.rel @!p0 .LBB2_2-.Ltmp0, $4  }
0x19: {  	[sflag:s11] =	ssyncset.done $0x0  }
0x1a: {  	[sflag:s11] =	ssyncadd.s32 $0xFFFFC000  }
0x1b: {  	_ =	swait.ge [sflag:s11], $0x4000  }
0x1c: {  	s13 =	sadd.s32 $0xFFFFFFFF, s13;
	[sflag:s11] =	ssyncset.done $0x0  }
.LBB2_1:
0x1d: {  	p0 =	sne.s32 s13, $0x1;
	s13 =	sadd.s32 $0xFFFFFFFF, s13;
	[sflag:s11] =	ssyncadd.s32 $0xFFFFC000  }
0x1e: {  	[tilespmem:s3], [sflag:$0x3] =	stream.linear.gather [hbm4b:s4+s3], $0x100, $0x38;
	[tilespmem:$0x8100] =	vst v63  }
0x1f: {  	_ =	swait.ge [sflag:s5], $0x100  }
0x20: {  	[sflag:s5] =	ssyncset.done $0x0  }
0x21: {  	[sflag:s5] =	ssyncadd.s32 $0xFFFFFF00  }
0x22: {  	[tilespmem:s7], [sflag:$0x1] =	stream.indirect.gather [hbm4b:s1+s6], $0x80, s3, s6, $0xb8;
	[tilespmem:$0x8100] =	vst v63  }
0x23: {  	_ = 	snop  }
0x24: {  	[tilespmem:s8], [sflag:$0x1] =	stream.indirect.gather [hbm4b:s1+s6], $0x80, s6, s6, $0xb8;
	[tilespmem:$0x8100] =	vst v63  }
0x25: {  	_ =	swait.ge [sflag:s9], $0x4000  }
0x26: {  	[sflag:s9] =	ssyncset.done $0x0  }
0x27: {  	[sflag:s9] =	ssyncadd.s32 $0xFFFFC000  }
0x28: {  	[hbm4b:s10+s3] =	stream.linear.scatter [tilespmem:s7], [sflag:$0x2], $0x4000, $0x38;
	[tilespmem:$0x8100] =	vst v63  }
0x29: {  	_ =	swait.ge [sflag:s9], $0x4000  }
0x2a: {  	[sflag:s9] =	ssyncset.done $0x0  }
0x2b: {  	[sflag:s9] =	ssyncadd.s32 $0xFFFFC000  }
0x2c: {  	[hbm4b:s12+s3] =	stream.linear.scatter [tilespmem:s8], [sflag:$0x2], $0x4000, $0x38;
	[tilespmem:$0x8100] =	vst v63  }
.Ltmp1:
0x2d: {  	_ =	swait.ge [sflag:s11], $0x4000;
	(pc) =	sbr.rel @p0 .LBB2_1-.Ltmp1, $4  }
0x2e: {  	[sflag:s11] =	ssyncset.done $0x0  }
0x2f: {  	[sflag:s11] =	ssyncadd.s32 $0xFFFFC000  }
0x30: {  	_ =	swait.ge [sflag:s11], $0x4000  }
0x31: {  	[sflag:s11] =	ssyncset.done $0x0  }
.LBB2_2:
0x32: {  	[sflag:s11] =	ssyncadd.s32 $0xFFFFC000  }
0x33: {  	_ =	sfence.sel $0x180000  }
0x34: {  	[bflag:$0x0] =	sbarrier.arrive $0xFFFF  }
0x35: {  	p0 =	sne.s32 s0, $0x0;
	_ =	strace $0x90000047  }
0x36: {  	s0 =	sadd.s32 @!p0 $0x100000, s2;
	[bflag:$0x2] =	sbarrier.arrive $0xFFFF  }
0x37: {  	[sflag:s0] =	ssyncadd.tile.s32 @!p0 $0x1;
	_ =	shalt  }
.Lfunc_end2:
_tile_overlayer_lowered:
.L_overlay_start_2:
0x38: {  	(tag) =	ssettag $0x2  }
0x39: {  	s0 =	rddreg [dreg:$0x0];
	s2 =	stileid.u32  }
0x3a: {  	s1 =	rddreg [dreg:$0x1];
	p0 =	sne.s32 s2, $0x0  }
0x3b: {  	s3 =	rddreg [dreg:$0x2];
	[bflag:$0x3] =	sbarrier.arrive $0xFFFF;
	s2 =	simm.s32 @!p0 $0x1C03  }
0x3c: {  	[timem:s3], [sflag:s2] =	dma.local @!p0 [hbm:s0], s1  }
0x3d: {  	s0 =	simm.s32 @!p0 $0x3  }
0x3e: {  	_ =	swait.ge @!p0 [sflag:s0], s1  }
0x3f: {  	s1 =	ssub.s32 @!p0 $0x0, s1;
	[sflag:s0] =	ssyncset.done @!p0 $0x0  }
0x40: {  	[sflag:s0] =	ssyncadd.s32 @!p0 s1  }
0x41: {  	[bflag:$0x3] =	sbarrier.arrive $0xFFFF  }
0x42: {  	_ =	shalt  }

// kernel: kernel.9.cloned.1.call-start
scs
__scs_entry_jumppad:
0x0: {  	(pc) =	sbr.rel $0x88, $3  }
0x1: {  	(tag) =	ssettag $0x0;
	lr =	simm.s32 $0x1  }
0x2: {  	[smem:$0x3F9B] =	sst lr;
	_ =	strace $0xD0000000  }
0x3: {  	_ = 	snop  }
0x4: {  	_ = 	snop  }
0x5: {  	_ = 	snop  }
0x6: {  	_ = 	snop  }
0x7: {  	_ = 	snop  }
__scs_overlays_trampoline_lowered:
0x8: {  	[smem:$0x3FAA] =	sst s0  }
0x9: {  	[smem:$0x3FAB] =	sst s1  }
0xa: {  	[smem:$0x3FAC] =	sst s2  }
0xb: {  	[smem:$0x3FAD] =	sst s3  }
0xc: {  	[smem:$0x3FAE] =	sst s4  }
0xd: {  	[smem:$0x3FAF] =	sst s5  }
0xe: {  	[smem:$0x3FB0] =	sst s6  }
0xf: {  	[smem:$0x3FB1] =	sst s7  }
0x10: {  	[smem:$0x3FB2] =	sst s8  }
0x11: {  	[smem:$0x3FB3] =	sst s9;
	s0 =	simm.s32 @!p0 $0x0  }
0x12: {  	s1 =	sld [smem:$0x3F99];
	s0 =	simm.s32 @p0 $0x1  }
0x13: {  	[smem:$0x3FB4] =	sst s0;
	s0 =	simm.s32 @!p1 $0x0  }
0x14: {  	s2 =	sld [smem:$0x3F98];
	s0 =	simm.s32 @p1 $0x1  }
0x15: {  	[smem:$0x3FB5] =	sst s0;
	s0 =	simm.s32 @!p2 $0x0  }
0x16: {  	s3 =	sld [smem:$0x3FDB];
	s0 =	simm.s32 @p2 $0x1  }
0x17: {  	s4 =	simm.s32 $0x1BF5;
	[smem:$0x3FB7] =	sst s0  }
0x18: {  	s0 =	sld [smem:$0x3F9A];
	_ =	swait.ge [sflag:s4], $0x0  }
0x19: {  	s7 =	sld [smem:$0x3F9B]  }
0x1a: {  	s8 =	sadd.s32 $0xFFFFE003, lr  }
0x1b: {  	s9 =	sadd.s32 $0xFFFFFEF7, lr;
	s5 =	simm.s32 $0xFFFFFFFF;
	p2 =	slt.u32 s8, $0xFFFFF086  }
0x1c: {  	p1 =	slt.u32 s9, $0xF7A;
	s5 =	simm.s32 @!p2 $0x0  }
0x1d: {  	s5 =	simm.s32 @p1 $0x1;
	p0 =	seq.s32 s7, s2  }
0x1e: {  	s7 =	smul.u32 @!p0 $0xF7A, s2;
	p2 =	seq.s32 @!p0 s5, $0x0  }
0x1f: {  	s9 =	smul.u32 $0xF7A, s1;
	s8 =	simm.s32 @!p0 $0x1BF5;
	p2 =	por !p2, p0  }
0x20: {  	[sflag:s8] =	ssyncset.s32 @!p0 $0xFFFFF086;
	s6 =	sadd.s32 @!p0 s3, s7;
	s7 =	simm.s32 @!p0 $0x108  }
0x21: {  	s3 =	sadd.s32 s3, s9;
	s6 =	sadd.s32 @!p0 $0x88, s6;
	s7 =	simm.s32 @p2 $0x1082  }
0x22: {  	[simem:s7], [sflag:s8] =	dma.local @!p0 [hbm:s6], $0xF7A  }
0x23: {  	s9 =	sor.u32 $0xD0000000, s2;
	s6 =	simm.s32 $0x108;
	_ =	swait.ge @!p0 [sflag:s8], $0x0  }
0x24: {  	s3 =	sadd.s32 $0x88, s3;
	s6 =	simm.s32 @!p1 $0x1082;
	[sflag:s4] =	ssyncset.s32 $0xFFFFF086  }
0x25: {  	[simem:s6], [sflag:s4] =	dma.local [hbm:s3], $0xF7A  }
0x26: {  	[smem:$0x3F9B] =	sst s1;
	(tag) =	ssettag s2;
	_ =	strace s9  }
0x27: {  	s1 =	sld [smem:$0x3FAB]  }
0x28: {  	s2 =	sld [smem:$0x3FAC]  }
0x29: {  	s4 =	sld [smem:$0x3FAE]  }
0x2a: {  	p0 =	seq.s32 s5, $0x0;
	s5 =	sld [smem:$0x3FAF]  }
0x2b: {  	s6 =	sld [smem:$0x3FB0]  }
0x2c: {  	s7 =	sld [smem:$0x3FB1]  }
0x2d: {  	s3 =	simm.s32 $0x108;
	s8 =	sld [smem:$0x3FB2]  }
0x2e: {  	s3 =	simm.s32 @!p0 $0x1082;
	s9 =	sld [smem:$0x3FB3]  }
0x2f: {  	lr =	sadd.s32 s0, s3;
	s0 =	sld [smem:$0x3FAA]  }
0x30: {  	s3 =	sld [smem:$0x3FAD]  }
0x31: {  	[smem:$0x3FB6] =	sst s10  }
0x32: {  	s10 =	sld [smem:$0x3FB4];
	_ =	sdelay $0x3  }
0x33: {  	p0 =	seq.s32 s10, $0x1;
	s10 =	sld [smem:$0x3FB6];
	_ =	sdelay $0x3  }
0x34: {  	[smem:$0x3FB6] =	sst s10  }
0x35: {  	s10 =	sld [smem:$0x3FB5];
	_ =	sdelay $0x3  }
0x36: {  	p1 =	seq.s32 s10, $0x1;
	s10 =	sld [smem:$0x3FB6];
	_ =	sdelay $0x3  }
0x37: {  	[smem:$0x3FB6] =	sst s10  }
0x38: {  	s10 =	sld [smem:$0x3FB7]  }
0x39: {  	_ = 	snop;
	(pc) =	sbr.ind lr, $3  }
0x3a: {  	_ = 	snop  }
0x3b: {  	_ = 	snop  }
0x3c: {  	p2 =	seq.s32 s10, $0x1;
	s10 =	sld [smem:$0x3FB6]  }
0x3d: {  	_ =	shalt  }
0x3e: {  	_ =	shalt  }
0x3f: {  	_ =	shalt  }
0x40: {  	_ =	shalt  }
0x41: {  	_ =	shalt  }
0x42: {  	_ =	shalt  }
0x43: {  	_ =	shalt  }
0x44: {  	_ =	shalt  }
0x45: {  	_ =	shalt  }
0x46: {  	_ =	shalt  }
0x47: {  	_ =	shalt  }
0x48: {  	_ =	shalt  }
0x49: {  	_ =	shalt  }
0x4a: {  	_ =	shalt  }
0x4b: {  	_ =	shalt  }
0x4c: {  	_ =	shalt  }
0x4d: {  	_ =	shalt  }
0x4e: {  	_ =	shalt  }
0x4f: {  	_ =	shalt  }
0x50: {  	_ =	shalt  }
0x51: {  	_ =	shalt  }
0x52: {  	_ =	shalt  }
0x53: {  	_ =	shalt  }
0x54: {  	_ =	shalt  }
0x55: {  	_ =	shalt  }
0x56: {  	_ =	shalt  }
0x57: {  	_ =	shalt  }
0x58: {  	_ =	shalt  }
0x59: {  	_ =	shalt  }
0x5a: {  	_ =	shalt  }
0x5b: {  	_ =	shalt  }
0x5c: {  	_ =	shalt  }
0x5d: {  	_ =	shalt  }
0x5e: {  	_ =	shalt  }
0x5f: {  	_ =	shalt  }
0x60: {  	_ =	shalt  }
0x61: {  	_ =	shalt  }
0x62: {  	_ =	shalt  }
0x63: {  	_ =	shalt  }
0x64: {  	_ =	shalt  }
0x65: {  	_ =	shalt  }
0x66: {  	_ =	shalt  }
0x67: {  	_ =	shalt  }
0x68: {  	_ =	shalt  }
0x69: {  	_ =	shalt  }
0x6a: {  	_ =	shalt  }
0x6b: {  	_ =	shalt  }
0x6c: {  	_ =	shalt  }
0x6d: {  	_ =	shalt  }
0x6e: {  	_ =	shalt  }
0x6f: {  	_ =	shalt  }
0x70: {  	_ =	shalt  }
0x71: {  	_ =	shalt  }
0x72: {  	_ =	shalt  }
0x73: {  	_ =	shalt  }
0x74: {  	_ =	shalt  }
0x75: {  	_ =	shalt  }
0x76: {  	_ =	shalt  }
0x77: {  	_ =	shalt  }
0x78: {  	_ =	shalt  }
0x79: {  	_ =	shalt  }
0x7a: {  	_ =	shalt  }
0x7b: {  	_ =	shalt  }
0x7c: {  	_ =	shalt  }
0x7d: {  	_ =	shalt  }
0x7e: {  	_ =	shalt  }
0x7f: {  	_ =	shalt  }
0x80: {  	_ =	shalt  }
0x81: {  	_ =	shalt  }
0x82: {  	_ =	shalt  }
0x83: {  	_ =	shalt  }
0x84: {  	_ =	shalt  }
0x85: {  	_ =	shalt  }
0x86: {  	_ =	shalt  }
0x87: {  	_ =	shalt  }
.Lfunc_end0:
.L_simem_size_0:
called_computation.1_lowered:
.L_overlay_start_0:
0x88: {  	s2 =	sld [smem:$0x3FD9]  }
0x89: {  	s3 =	sld [smem:$0x3FFE];
	_ =	sdelay $0x1  }
0x8a: {  	s1 =	srdreg.scid  }
0x8b: {  	s0 =	sand.u32 $0x1, s1  }
0x8c: {  	s17 =	sshll.u32 s0, $0xA;
	s2 =	sadd.s32 s3, s2  }
0x8d: {  	s2 =	sadd.s32 s2, s17  }
0x8e: {  	[smem:$0x3FC2] =	sst s2  }
0x8f: {  	_ = 	snop  }
0x90: {  	s18 =	sld [smem:$0x3FC7];
	(tm) =	ssettm $0x1  }
0x91: {  	s19 =	sld [smem:$0x3FFB];
	_ =	sdelay $0x3  }
0x92: {  	_ =	strace s19  }
0x93: {  	s2 =	sld [smem:$0x3FFC];
	_ =	sdelay $0x3  }
0x94: {  	_ =	strace s2  }
0x95: {  	s2 =	sld [smem:$0x3FFD];
	_ =	sdelay $0x3  }
0x96: {  	_ =	strace s2  }
0x97: {  	_ =	strace $0x8FFFFFFF  }
0x98: {  	s20 =	sld [smem:$0x3FDB];
	_ =	sdelay $0x1  }
0x99: {  	s4 =	simm.s32 $_scs_section_size  }
0x9a: {  	s5 =	simm.s32 $_size__tile_overlayer_lowered;
	s6 =	simm.s32 $_tile_overlayer_lowered  }
0x9b: {  	s7 =	simm.s32 $0x1BFF;
	s21 =	sshll.u32 s6, $0x1;
	s4 =	sadd.s32 s4, s20  }
0x9c: {  	s22 =	simm.s32 $0x0;
	s5 =	sshll.u32 s5, $0x1;
	s6 =	sadd.s32 s21, s4  }
0x9d: {  	[timem:s22], [sflag:s7] =	dma.local [hbm:s6], s5  }
0x9e: {  	_ =	swait.ge [sflag:s7], s5  }
0x9f: {  	s5 =	ssub.s32 $0x0, s5;
	[sflag:s7] =	ssyncset.done $0x0  }
0xa0: {  	[sflag:s7] =	ssyncadd.s32 s5;
	_ =	sdelay $0x1  }
0xa1: {  	s23 =	simm.s32 $0x1B8B  }
0xa2: {  	_ =	swait.ge [sflag:s23], $0x1  }
0xa3: {  	[sflag:s23] =	ssyncset.done $0x0  }
0xa4: {  	[sflag:s23] =	ssyncadd.s32 $0xFFFFFFFF  }
0xa5: {  	s5 =	sld [smem:$0x0]  }
0xa6: {  	s6 =	sand.u32 $0xFFFFFFFE, s1  }
0xa7: {  	p0 =	sne.s32 s1, s6  }
0xa8: {  	s6 =	sshll.u32 @p0 s6, $0xE  }
0xa9: {  	s6 =	sadd.s32 @p0 $0x11B8D, s6;
	s7 =	sshll.u32 @p0 s5, $0x11  }
0xaa: {  	s6 =	sor.u32 @p0 s7, s6  }
0xab: {  	[sflag:s6] =	ssyncadd.remote.s32 @p0 $0x1;
	_ =	sdelay $0x1  }
0xac: {  	s6 =	simm.s32 @p0 $0x1B8D  }
0xad: {  	_ =	swait.eq @p0 [sflag:s6], $0x1  }
0xae: {  	[sflag:s6] =	ssyncadd.s32 @p0 $0xFFFFFFFF  }
0xaf: {  	s7 =	sshll.u32 @!p0 s1, $0xE  }
0xb0: {  	s7 =	sor.u32 @!p0 $0x4000, s7;
	s6 =	simm.s32 @!p0 $0x1B8D  }
0xb1: {  	s5 =	sshll.u32 @!p0 s5, $0x11;
	s7 =	sadd.s32 @!p0 $0x11B8D, s7;
	_ =	swait.eq @!p0 [sflag:s6], $0x1  }
0xb2: {  	s5 =	sor.u32 @!p0 s5, s7;
	[sflag:s6] =	ssyncadd.s32 @!p0 $0xFFFFFFFF  }
0xb3: {  	s25 =	simm.s32 $0x1B8E;
	s24 =	sld [smem:$0x3FFE];
	[sflag:s5] =	ssyncadd.remote.s32 @!p0 $0x1  }
0xb4: {  	s26 =	simm.s32 $execute0_lowered;
	[smem:$0x3FD2] =	sst s25  }
0xb5: {  	s6 =	sshll.u32 s26, $0x1;
	_ =	strace $0x80000049;
	[dreg:$0x1] =	wrdreg $0xFFFFFFFF  }
0xb6: {  	s28 =	simm.s32 $_size_execute0_lowered;
	s4 =	sadd.s32 s4, s6;
	[dreg:$0x0] =	wrdreg $0x0  }
0xb7: {  	s6 =	sshll.u32 s28, $0x1;
	[dreg:$0x2] =	wrdreg s4  }
0xb8: {  	[dreg:$0x3] =	wrdreg s6  }
0xb9: {  	[dreg:$0x4] =	wrdreg $0xC0  }
0xba: {  	_ =	task [dreg:s22], $0x5FFFF  }
0xbb: {  	[dreg:$0x1] =	wrdreg $0xFFFFFFFF  }
0xbc: {  	[dreg:$0x0] =	wrdreg $0x60  }
0xbd: {  	[dreg:$0x2] =	wrdreg s18  }
0xbe: {  	[dreg:$0x3] =	wrdreg s24  }
0xbf: {  	[dreg:$0x4] =	wrdreg $0xA  }
0xc0: {  	_ =	task.clear_ibuf [dreg:s22], $0x5FFFF;
	_ =	strace $0x90000049  }
0xc1: {  	s29 =	simm.s32 $0xA;
	_ =	strace $0x8000004B  }
0xc2: {  	_ =	swait.ge [sflag:s29], $0x1  }
0xc3: {  	[sflag:s29] =	ssyncadd.s32 $0xFFFFFFFF  }
0xc4: {  	_ =	strace $0x9000004B  }
0xc5: {  	_ =	sfence  }
0xc6: {  	s30 =	sld [smem:$0x0];
	_ =	sdelay $0x2  }
0xc7: {  	s31 =	sshll.u32 s1, $0xD;
	s1 =	sshrl.u32 s1, $0x2  }
0xc8: {  	s4 =	sand.u32 $0x4000, s31;
	s1 =	sadd.s32 s1, s30  }
0xc9: {  	s0 =	sor.u32 s4, s0;
	s1 =	sshll.u32 s1, $0x11  }
0xca: {  	s0 =	sor.u32 s1, s0  }
0xcb: {  	s0 =	sadd.s32 $0x8F2B, s0  }
0xcc: {  	[sflag:s0] =	ssyncadd.remote.s32 $0x1  }
0xcd: {  	_ =	sfence.sel $0xFFFF  }
0xce: {  	[dreg:$0x0] =	wrdreg $0xFFFFFFFF;
	(pc) =	sbr.abs _section_cstart, $3  }
0xcf: {  	[dreg:$0x1] =	wrdreg $0xFFFFFFFF  }
0xd0: {  	_ =	task.clear_ibuf [dreg:s22], $0x2FFFF;
	_ =	strace $0x9FFFFFFF  }
0xd1: {  	(tm) =	ssettm $0x7FFFFFFF  }
tec
execute0_lowered:
.L_overlay_start_1:
0x0: {  	(tag) =	ssettag $0x1  }
0x1: {  	s0 =	srdreg.scid  }
0x2: {  	s2 =	rddreg [dreg:$0x0];
	s1 =	stileid.u32;
	s11 =	sand.u32 $0x1, s0  }
0x3: {  	s10 =	rddreg [dreg:$0x1];
	s6 =	sshrl.u32 s1, $0x3;
	s3 =	sshll.u32 s11, $0x5  }
0x4: {  	s7 =	sshll.u32 s1, $0x6;
	s5 =	sshll.u32 s6, $0xA;
	s4 =	sadd.s32 s3, s10  }
0x5: {  	s0 =	rddreg [dreg:$0x2];
	s8 =	sand.u32 $0x40, s7;
	s4 =	sadd.s32 s5, s4  }
0x6: {  	s29 =	sand.u32 $0x180, s7;
	s3 =	simm.s32 $0x0;
	s4 =	sadd.s32 s8, s4  }
0x7: {  	s30 =	sshll.u32 s1, $0xD;
	[smem:$0x7FF] =	sst s3;
	s4 =	sadd.s32 s29, s4  }
0x8: {  	s5 =	simm.s32 $0x3;
	_ =	strace $0x8000004A;
	s4 =	sadd.s32 $0x1400, s4  }
0x9: {  	[tilespmem:s3], [sflag:$0x3] =	stream.linear.gather [hbm4b:s4+s3], $0x100, $0x38;
	[tilespmem:$0x8100] =	vst v63  }
0xa: {  	s6 =	sshll.u32 s6, $0x10;
	s7 =	sand.u32 $0xE000, s30;
	_ =	swait.ge [sflag:s5], $0x100  }
0xb: {  	s12 =	sor.u32 s7, s6;
	[sflag:s5] =	ssyncset.done $0x0  }
0xc: {  	s6 =	simm.s32 $0x80;
	s7 =	simm.s32 $0x100;
	[sflag:s5] =	ssyncadd.s32 $0xFFFFFF00  }
0xd: {  	[tilespmem:s7], [sflag:$0x1] =	stream.indirect.gather [hbm4b:s2+s6], $0x80, s3, s6, $0xb8;
	[tilespmem:$0x8100] =	vst v63  }
0xe: {  	s9 =	simm.s32 $0x1;
	s13 =	sshll.u32 s11, $0xC;
	s8 =	simm.s32 $0x4100  }
0xf: {  	[tilespmem:s8], [sflag:$0x1] =	stream.indirect.gather [hbm4b:s2+s6], $0x80, s6, s6, $0xb8;
	[tilespmem:$0x8100] =	vst v63  }
0x10: {  	s12 =	sor.u32 s13, s12;
	_ =	swait.ge [sflag:s9], $0x4000  }
0x11: {  	s31 =	ssub.s32 $0x2, s11;
	s12 =	sadd.s32 s12, s10;
	[sflag:s9] =	ssyncset.done $0x0  }
0x12: {  	s14 =	sshrl.u32 s31, $0x1;
	s10 =	sadd.s32 $0x1A00, s12;
	[sflag:s9] =	ssyncadd.s32 $0xFFFFC000  }
0x13: {  	[hbm4b:s10+s3] =	stream.linear.scatter [tilespmem:s7], [sflag:$0x2], $0x4000, $0x38;
	[tilespmem:$0x8100] =	vst v63  }
0x14: {  	s13 =	ssub.s32 s31, s14;
	_ =	swait.ge [sflag:s9], $0x4000  }
0x15: {  	s11 =	simm.s32 $0x2;
	s13 =	smax.u32 s13, $0x1;
	[sflag:s9] =	ssyncset.done $0x0  }
0x16: {  	s12 =	sadd.s32 $0x2200, s12;
	p0 =	sne.s32 s13, $0x1;
	[sflag:s9] =	ssyncadd.s32 $0xFFFFC000  }
0x17: {  	[hbm4b:s12+s3] =	stream.linear.scatter [tilespmem:s8], [sflag:$0x2], $0x4000, $0x38;
	[tilespmem:$0x8100] =	vst v63  }
.Ltmp0:
0x18: {  	_ =	swait.ge [sflag:s11], $0x4000;
	(pc) =	sbr.rel @!p0 .LBB2_2-.Ltmp0, $4  }
0x19: {  	[sflag:s11] =	ssyncset.done $0x0  }
0x1a: {  	[sflag:s11] =	ssyncadd.s32 $0xFFFFC000  }
0x1b: {  	_ =	swait.ge [sflag:s11], $0x4000  }
0x1c: {  	s13 =	sadd.s32 $0xFFFFFFFF, s13;
	[sflag:s11] =	ssyncset.done $0x0  }
.LBB2_1:
0x1d: {  	p0 =	sne.s32 s13, $0x1;
	s13 =	sadd.s32 $0xFFFFFFFF, s13;
	[sflag:s11] =	ssyncadd.s32 $0xFFFFC000  }
0x1e: {  	[tilespmem:s3], [sflag:$0x3] =	stream.linear.gather [hbm4b:s4+s3], $0x100, $0x38;
	[tilespmem:$0x8100] =	vst v63  }
0x1f: {  	_ =	swait.ge [sflag:s5], $0x100  }
0x20: {  	[sflag:s5] =	ssyncset.done $0x0  }
0x21: {  	[sflag:s5] =	ssyncadd.s32 $0xFFFFFF00  }
0x22: {  	[tilespmem:s7], [sflag:$0x1] =	stream.indirect.gather [hbm4b:s2+s6], $0x80, s3, s6, $0xb8;
	[tilespmem:$0x8100] =	vst v63  }
0x23: {  	_ = 	snop  }
0x24: {  	[tilespmem:s8], [sflag:$0x1] =	stream.indirect.gather [hbm4b:s2+s6], $0x80, s6, s6, $0xb8;
	[tilespmem:$0x8100] =	vst v63  }
0x25: {  	_ =	swait.ge [sflag:s9], $0x4000  }
0x26: {  	[sflag:s9] =	ssyncset.done $0x0  }
0x27: {  	[sflag:s9] =	ssyncadd.s32 $0xFFFFC000  }
0x28: {  	[hbm4b:s10+s3] =	stream.linear.scatter [tilespmem:s7], [sflag:$0x2], $0x4000, $0x38;
	[tilespmem:$0x8100] =	vst v63  }
0x29: {  	_ =	swait.ge [sflag:s9], $0x4000  }
0x2a: {  	[sflag:s9] =	ssyncset.done $0x0  }
0x2b: {  	[sflag:s9] =	ssyncadd.s32 $0xFFFFC000  }
0x2c: {  	[hbm4b:s12+s3] =	stream.linear.scatter [tilespmem:s8], [sflag:$0x2], $0x4000, $0x38;
	[tilespmem:$0x8100] =	vst v63  }
.Ltmp1:
0x2d: {  	_ =	swait.ge [sflag:s11], $0x4000;
	(pc) =	sbr.rel @p0 .LBB2_1-.Ltmp1, $4  }
0x2e: {  	[sflag:s11] =	ssyncset.done $0x0  }
0x2f: {  	[sflag:s11] =	ssyncadd.s32 $0xFFFFC000  }
0x30: {  	_ =	swait.ge [sflag:s11], $0x4000  }
0x31: {  	[sflag:s11] =	ssyncset.done $0x0  }
.LBB2_2:
0x32: {  	[sflag:s11] =	ssyncadd.s32 $0xFFFFC000  }
0x33: {  	_ =	sfence.sel $0x180000  }
0x34: {  	[bflag:$0x0] =	sbarrier.arrive $0xFFFF  }
0x35: {  	p0 =	sne.s32 s1, $0x0;
	_ =	strace $0x9000004A  }
0x36: {  	s0 =	sadd.s32 @!p0 $0x100000, s0;
	[bflag:$0x2] =	sbarrier.arrive $0xFFFF  }
0x37: {  	[sflag:s0] =	ssyncadd.tile.s32 @!p0 $0x1;
	_ =	shalt  }
.Lfunc_end2:
_tile_overlayer_lowered:
.L_overlay_start_2:
0x38: {  	(tag) =	ssettag $0x2  }
0x39: {  	s0 =	rddreg [dreg:$0x0];
	s2 =	stileid.u32  }
0x3a: {  	s1 =	rddreg [dreg:$0x1];
	p0 =	sne.s32 s2, $0x0  }
0x3b: {  	s3 =	rddreg [dreg:$0x2];
	[bflag:$0x3] =	sbarrier.arrive $0xFFFF;
	s2 =	simm.s32 @!p0 $0x1C03  }
0x3c: {  	[timem:s3], [sflag:s2] =	dma.local @!p0 [hbm:s0], s1  }
0x3d: {  	s0 =	simm.s32 @!p0 $0x3  }
0x3e: {  	_ =	swait.ge @!p0 [sflag:s0], s1  }
0x3f: {  	s1 =	ssub.s32 @!p0 $0x0, s1;
	[sflag:s0] =	ssyncset.done @!p0 $0x0  }
0x40: {  	[sflag:s0] =	ssyncadd.s32 @!p0 s1  }
0x41: {  	[bflag:$0x3] =	sbarrier.arrive $0xFFFF  }
0x42: {  	_ =	shalt  }

</sc_bundles>
